<compile_context>
chip_gen: v7x
topology: tpu7x:2x2x1
jax: 0.10.2.dev20260603
libtpu: 0.0.44.dev20260713+nightly
codegen_flags: <defaults>
</compile_context>

<pallas_src>
import jax
import jax.numpy as jnp
from jax import lax
from jax.experimental import pallas as pl
from jax.experimental.pallas import tpu as pltpu
from jax.experimental.pallas import tpu_sc as plsc

BATCH = 4096
OBS_D = 32
ACT_D = 8

_info = plsc.get_sparse_core_info()
_NC, _NS = _info.num_cores, _info.num_subcores
_NW = _NC * _NS
_BPW = BATCH // _NW


def _sample_body(obs_hbm, act_hbm, rew_hbm, nxt_hbm, don_hbm, idx_hbm,
                 obs_out, act_out, rew_out, nxt_out, don_out,
                 idx_v, obs_v, act_v, rew_v, nxt_v, don_v,
                 s0, s1, s2, s3, s4):
    wid = lax.axis_index("s") * _NC + lax.axis_index("c")
    base = wid * _BPW
    pltpu.sync_copy(idx_hbm.at[pl.ds(base, _BPW)], idx_v)

    c_rew = pltpu.async_copy(rew_hbm.at[idx_v], rew_v, s2)
    c_don = pltpu.async_copy(don_hbm.at[idx_v], don_v, s4)

    def fire(g, _):
        vec = idx_v[pl.ds(g * 16, 16)]
        for lane in range(16):
            s = vec[lane]
            i = g * 16 + lane
            pltpu.async_copy(obs_hbm.at[s], obs_v.at[i], s0)
            pltpu.async_copy(act_hbm.at[s], act_v.at[i], s1)
            pltpu.async_copy(nxt_hbm.at[s], nxt_v.at[i], s3)
        return ()

    lax.fori_loop(0, _BPW // 16, fire, ())

    pltpu.make_async_copy(obs_hbm.at[pl.ds(0, _BPW)], obs_v, s0).wait()
    pltpu.make_async_copy(act_hbm.at[pl.ds(0, _BPW)], act_v, s1).wait()
    pltpu.make_async_copy(nxt_hbm.at[pl.ds(0, _BPW)], nxt_v, s3).wait()
    c_rew.wait()
    c_don.wait()

    pltpu.sync_copy(obs_v, obs_out.at[pl.ds(base, _BPW)])
    pltpu.sync_copy(act_v, act_out.at[pl.ds(base, _BPW)])
    pltpu.sync_copy(rew_v, rew_out.at[pl.ds(base, _BPW)])
    pltpu.sync_copy(nxt_v, nxt_out.at[pl.ds(base, _BPW)])
    pltpu.sync_copy(don_v, don_out.at[pl.ds(base, _BPW)])


@jax.jit
def _sample(obs, actions, rewards, next_obs, dones, indices):
    f = pl.kernel(
        _sample_body,
        out_type=(
            jax.ShapeDtypeStruct((BATCH, OBS_D), jnp.float32),
            jax.ShapeDtypeStruct((BATCH, ACT_D), jnp.float32),
            jax.ShapeDtypeStruct((BATCH,), jnp.float32),
            jax.ShapeDtypeStruct((BATCH, OBS_D), jnp.float32),
            jax.ShapeDtypeStruct((BATCH,), jnp.float32),
        ),
        mesh=plsc.VectorSubcoreMesh(core_axis_name="c", subcore_axis_name="s"),
        scratch_types=[
            pltpu.VMEM((_BPW,), jnp.int32),
            pltpu.VMEM((_BPW, OBS_D), jnp.float32),
            pltpu.VMEM((_BPW, ACT_D), jnp.float32),
            pltpu.VMEM((_BPW,), jnp.float32),
            pltpu.VMEM((_BPW, OBS_D), jnp.float32),
            pltpu.VMEM((_BPW,), jnp.float32),
            pltpu.SemaphoreType.DMA,
            pltpu.SemaphoreType.DMA,
            pltpu.SemaphoreType.DMA,
            pltpu.SemaphoreType.DMA,
            pltpu.SemaphoreType.DMA,
        ],
    )
    return f(obs, actions, rewards, next_obs, dones, indices)


def kernel(obs, actions, rewards, next_obs, dones, key_seed, batch_size):
    key = jax.random.key(key_seed)
    size = obs.shape[0]
    indices = jax.random.randint(key, shape=(BATCH,), minval=0, maxval=size)
    indices = indices + (jnp.asarray(batch_size, dtype=indices.dtype) - BATCH)
    return _sample(obs, actions, rewards, next_obs, dones, indices)

# --- scband reference (transcript-rebuilt; emitter-appended) ---
"""Pipeline reference for scband-replay-buffer-58119497450290 (READ-ONLY COPY).

The authoritative reference and input builder live on the scoring server;
editing this copy changes nothing except your own understanding.
"""

import jax, jax.numpy as jnp
import numpy as np

BUFFER_SIZE = 1000000
OBS_DIM = 32
ACT_DIM = 8
BATCH_SIZE = 4096


def setup_inputs(seed: int = 0) -> dict:
    key = jax.random.key(seed)
    k1, k2, k3, k4, k5 = jax.random.split(key, 5)
    obs = jax.random.normal(k1, (BUFFER_SIZE, OBS_DIM), dtype=jnp.float32)
    actions = jax.random.normal(k2, (BUFFER_SIZE, ACT_DIM), dtype=jnp.float32)
    rewards = jax.random.normal(k3, (BUFFER_SIZE,), dtype=jnp.float32)
    next_obs = jax.random.normal(k4, (BUFFER_SIZE, OBS_DIM), dtype=jnp.float32)
    dones = jax.random.uniform(k5, (BUFFER_SIZE,), dtype=jnp.float32)
    return {
        'obs': obs,
        'actions': actions,
        'rewards': rewards,
        'next_obs': next_obs,
        'dones': dones,
        'key_seed': 0,
        'batch_size': BATCH_SIZE,
    }


def reference(obs, actions, rewards, next_obs, dones, key_seed, batch_size):
    # Faithful translation of ReplayBuffer.sample_batch:
    #   indices = jax.random.randint(key, (batch_size,), 0, size)
    #   batch = tree_map(lambda arr: arr[indices], data)
    key = jax.random.key(key_seed)
    size = obs.shape[0]
    indices = jax.random.randint(key, shape=(BATCH_SIZE,), minval=0, maxval=size)
    indices = indices + (jnp.asarray(batch_size, dtype=indices.dtype) - BATCH_SIZE)
    data = {
        'obs': obs,
        'actions': actions,
        'rewards': rewards,
        'next_obs': next_obs,
        'dones': dones,
    }
    batch = jax.tree_util.tree_map(lambda arr: jnp.take(arr, indices, axis=0), data)
    return (batch['obs'], batch['actions'], batch['rewards'], batch['next_obs'], batch['dones'])

if __name__ == "__main__":
    import jax
    _d = setup_inputs()
    print(jax.jit(kernel)(*tuple(_d.values())))

</pallas_src>

<mosaic_0001>
#map = affine_map<(d0, d1) -> (0, 0)>
#map1 = affine_map<(d0, d1) -> (0)>
module attributes {stable_mosaic.version = 14 : i64} {
  func.func @_sample_body(%arg0: i32, %arg1: i32, %arg2: memref<1000000x32xf32, #tpu.memory_space<hbm>>, %arg3: memref<1000000x8xf32, #tpu.memory_space<hbm>>, %arg4: memref<1000000xf32, #tpu.memory_space<hbm>>, %arg5: memref<1000000x32xf32, #tpu.memory_space<hbm>>, %arg6: memref<1000000xf32, #tpu.memory_space<hbm>>, %arg7: memref<4096xi32, #tpu.memory_space<hbm>>, %arg8: memref<4096x32xf32, #tpu.memory_space<hbm>>, %arg9: memref<4096x8xf32, #tpu.memory_space<hbm>>, %arg10: memref<4096xf32, #tpu.memory_space<hbm>>, %arg11: memref<4096x32xf32, #tpu.memory_space<hbm>>, %arg12: memref<4096xf32, #tpu.memory_space<hbm>>, %arg13: memref<128xi32, #tpu.memory_space<vmem>>, %arg14: memref<128x32xf32, #tpu.memory_space<vmem>>, %arg15: memref<128x8xf32, #tpu.memory_space<vmem>>, %arg16: memref<128xf32, #tpu.memory_space<vmem>>, %arg17: memref<128x32xf32, #tpu.memory_space<vmem>>, %arg18: memref<128xf32, #tpu.memory_space<vmem>>, %arg19: memref<!tpu.dma_semaphore, #tpu.memory_space<semaphore_mem>>, %arg20: memref<!tpu.dma_semaphore, #tpu.memory_space<semaphore_mem>>, %arg21: memref<!tpu.dma_semaphore, #tpu.memory_space<semaphore_mem>>, %arg22: memref<!tpu.dma_semaphore, #tpu.memory_space<semaphore_mem>>, %arg23: memref<!tpu.dma_semaphore, #tpu.memory_space<semaphore_mem>>) attributes {dimension_semantics = [#tpu.dimension_semantics<core_parallel>, #tpu.dimension_semantics<subcore_parallel>], iteration_bounds = array<i64: 2, 16>, scalar_prefetch = 0 : i64, scratch_operands = 11 : i64, tpu.core_type = #tpu.core_type<sc_vector_subcore>, window_params = [{transform_indices = #map}, {transform_indices = #map}, {transform_indices = #map1}, {transform_indices = #map}, {transform_indices = #map1}, {transform_indices = #map1}, {transform_indices = #map}, {transform_indices = #map}, {transform_indices = #map1}, {transform_indices = #map}, {transform_indices = #map1}]} {
    %mul3A = arith.constant 2 : i32
    %mul3A_0 = arith.muli %arg1, %mul3A : i32
    %add3A = arith.addi %mul3A_0, %arg0 : i32
    %mul3A_1 = arith.constant 128 : i32
    %mul3A_2 = arith.muli %add3A, %mul3A_1 : i32
    "tpu.region"() ({
      %run_scoped3A = tpu.sem_alloc : memref<!tpu.dma_semaphore, #tpu.memory_space<semaphore_mem>>
      %dma_start3A_31 = tpu.memref_slice %arg7[%mul3A_2] : memref<4096xi32, #tpu.memory_space<hbm>> -> memref<128xi32, #tpu.memory_space<hbm>>
      %dma_start3A_32 = tpu.memref_slice %arg7[%mul3A_2] : memref<4096xi32, #tpu.memory_space<hbm>> -> memref<128xi32, #tpu.memory_space<hbm>>
      tpu.enqueue_dma source(%dma_start3A_32 : memref<128xi32, #tpu.memory_space<hbm>>) target(%arg13 : memref<128xi32, #tpu.memory_space<vmem>>) target_semaphore(%run_scoped3A : memref<!tpu.dma_semaphore, #tpu.memory_space<semaphore_mem>>)
      %dma_wait3A_33 = tpu.memref_slice %arg7[%mul3A_2] : memref<4096xi32, #tpu.memory_space<hbm>> -> memref<128xi32, #tpu.memory_space<hbm>>
      %dma_wait3A_34 = tpu.memref_slice %arg7[%mul3A_2] : memref<4096xi32, #tpu.memory_space<hbm>> -> memref<128xi32, #tpu.memory_space<hbm>>
      tpu.wait_dma2 semaphore(%run_scoped3A : memref<!tpu.dma_semaphore, #tpu.memory_space<semaphore_mem>>) src(%dma_wait3A_34 : memref<128xi32, #tpu.memory_space<hbm>>) dst(%arg13 : memref<128xi32, #tpu.memory_space<vmem>>)
      tpu.yield
    }) : () -> ()
    %dma_start3A = arith.constant 0 : i32
    %dma_start3A_3 = tpu.memref_slice %arg4[%dma_start3A] : memref<1000000xf32, #tpu.memory_space<hbm>> -> memref<1000000xf32, #tpu.memory_space<hbm>>
    tpu.enqueue_indirect_dma source(%dma_start3A_3 : memref<1000000xf32, #tpu.memory_space<hbm>>) target(%arg16 : memref<128xf32, #tpu.memory_space<vmem>>) offsets(%arg13 : memref<128xi32, #tpu.memory_space<vmem>>) semaphore(%arg21 : memref<!tpu.dma_semaphore, #tpu.memory_space<semaphore_mem>>)
    %dma_start3A_4 = arith.constant 0 : i32
    %dma_start3A_5 = tpu.memref_slice %arg6[%dma_start3A_4] : memref<1000000xf32, #tpu.memory_space<hbm>> -> memref<1000000xf32, #tpu.memory_space<hbm>>
    tpu.enqueue_indirect_dma source(%dma_start3A_5 : memref<1000000xf32, #tpu.memory_space<hbm>>) target(%arg18 : memref<128xf32, #tpu.memory_space<vmem>>) offsets(%arg13 : memref<128xi32, #tpu.memory_space<vmem>>) semaphore(%arg23 : memref<!tpu.dma_semaphore, #tpu.memory_space<semaphore_mem>>)
    %scan3A = arith.constant 0 : i32
    %scan3A_6 = arith.constant 8 : i32
    %scan3A_7 = arith.addi %scan3A, %scan3A_6 : i32
    %scan3A_8 = arith.constant 1 : i32
    scf.for %scan3A_31 = %scan3A to %scan3A_7 step %scan3A_8  : i32 {
      %mul3A_32 = arith.constant 16 : i32
      %mul3A_33 = arith.muli %scan3A_31, %mul3A_32 : i32
      %get3A = arith.index_cast %mul3A_33 : i32 to index
      %get3A_34 = tpu.vector_load %arg13[%get3A] {strides = array<i32>} : memref<128xi32, #tpu.memory_space<vmem>>, vector<16xi32>,
      %get3A_35 = vector.shape_cast %get3A_34 : vector<16xi32> to vector<16xi32>
      %slice3A = vector.extract_strided_slice %get3A_35 {offsets = [0], sizes = [1], strides = [1]} : vector<16xi32> to vector<1xi32>
      %squeeze3A = vector.extract %slice3A[0] : i32 from vector<1xi32>
      %mul3A_36 = arith.constant 16 : i32
      %mul3A_37 = arith.muli %scan3A_31, %mul3A_36 : i32
      %add3A_38 = arith.constant 0 : i32
      %add3A_39 = arith.addi %mul3A_37, %add3A_38 : i32
      %dma_start3A_40 = arith.constant 0 : i32
      %dma_start3A_41 = tpu.memref_slice %arg14[%add3A_39, %dma_start3A_40] : memref<128x32xf32, #tpu.memory_space<vmem>> -> memref<1x32xf32, #tpu.memory_space<vmem>>
      %dma_start3A_42 = tpu.memref_squeeze %dma_start3A_41 : memref<1x32xf32, #tpu.memory_space<vmem>> -> memref<32xf32, #tpu.memory_space<vmem>>
      %dma_start3A_43 = arith.constant 0 : i32
      %dma_start3A_44 = tpu.memref_slice %arg2[%squeeze3A, %dma_start3A_43] : memref<1000000x32xf32, #tpu.memory_space<hbm>> -> memref<1x32xf32, #tpu.memory_space<hbm>>
      %dma_start3A_45 = tpu.memref_squeeze %dma_start3A_44 : memref<1x32xf32, #tpu.memory_space<hbm>> -> memref<32xf32, #tpu.memory_space<hbm>>
      %dma_start3A_46 = arith.constant 0 : i32
      %dma_start3A_47 = tpu.memref_slice %arg14[%add3A_39, %dma_start3A_46] : memref<128x32xf32, #tpu.memory_space<vmem>> -> memref<1x32xf32, #tpu.memory_space<vmem>>
      %dma_start3A_48 = tpu.memref_squeeze %dma_start3A_47 : memref<1x32xf32, #tpu.memory_space<vmem>> -> memref<32xf32, #tpu.memory_space<vmem>>
      %dma_start3A_49 = arith.constant 0 : i32
      %dma_start3A_50 = tpu.memref_slice %arg2[%squeeze3A, %dma_start3A_49] : memref<1000000x32xf32, #tpu.memory_space<hbm>> -> memref<1x32xf32, #tpu.memory_space<hbm>>
      %dma_start3A_51 = tpu.memref_squeeze %dma_start3A_50 : memref<1x32xf32, #tpu.memory_space<hbm>> -> memref<32xf32, #tpu.memory_space<hbm>>
      tpu.enqueue_dma source(%dma_start3A_51 : memref<32xf32, #tpu.memory_space<hbm>>) target(%dma_start3A_48 : memref<32xf32, #tpu.memory_space<vmem>>) target_semaphore(%arg19 : memref<!tpu.dma_semaphore, #tpu.memory_space<semaphore_mem>>)
      %dma_start3A_52 = arith.constant 0 : i32
      %dma_start3A_53 = tpu.memref_slice %arg15[%add3A_39, %dma_start3A_52] : memref<128x8xf32, #tpu.memory_space<vmem>> -> memref<1x8xf32, #tpu.memory_space<vmem>>
      %dma_start3A_54 = tpu.memref_squeeze %dma_start3A_53 : memref<1x8xf32, #tpu.memory_space<vmem>> -> memref<8xf32, #tpu.memory_space<vmem>>
      %dma_start3A_55 = arith.constant 0 : i32
      %dma_start3A_56 = tpu.memref_slice %arg3[%squeeze3A, %dma_start3A_55] : memref<1000000x8xf32, #tpu.memory_space<hbm>> -> memref<1x8xf32, #tpu.memory_space<hbm>>
      %dma_start3A_57 = tpu.memref_squeeze %dma_start3A_56 : memref<1x8xf32, #tpu.memory_space<hbm>> -> memref<8xf32, #tpu.memory_space<hbm>>
      %dma_start3A_58 = arith.constant 0 : i32
      %dma_start3A_59 = tpu.memref_slice %arg15[%add3A_39, %dma_start3A_58] : memref<128x8xf32, #tpu.memory_space<vmem>> -> memref<1x8xf32, #tpu.memory_space<vmem>>
      %dma_start3A_60 = tpu.memref_squeeze %dma_start3A_59 : memref<1x8xf32, #tpu.memory_space<vmem>> -> memref<8xf32, #tpu.memory_space<vmem>>
      %dma_start3A_61 = arith.constant 0 : i32
      %dma_start3A_62 = tpu.memref_slice %arg3[%squeeze3A, %dma_start3A_61] : memref<1000000x8xf32, #tpu.memory_space<hbm>> -> memref<1x8xf32, #tpu.memory_space<hbm>>
      %dma_start3A_63 = tpu.memref_squeeze %dma_start3A_62 : memref<1x8xf32, #tpu.memory_space<hbm>> -> memref<8xf32, #tpu.memory_space<hbm>>
      tpu.enqueue_dma source(%dma_start3A_63 : memref<8xf32, #tpu.memory_space<hbm>>) target(%dma_start3A_60 : memref<8xf32, #tpu.memory_space<vmem>>) target_semaphore(%arg20 : memref<!tpu.dma_semaphore, #tpu.memory_space<semaphore_mem>>)
      %dma_start3A_64 = arith.constant 0 : i32
      %dma_start3A_65 = tpu.memref_slice %arg17[%add3A_39, %dma_start3A_64] : memref<128x32xf32, #tpu.memory_space<vmem>> -> memref<1x32xf32, #tpu.memory_space<vmem>>
      %dma_start3A_66 = tpu.memref_squeeze %dma_start3A_65 : memref<1x32xf32, #tpu.memory_space<vmem>> -> memref<32xf32, #tpu.memory_space<vmem>>
      %dma_start3A_67 = arith.constant 0 : i32
      %dma_start3A_68 = tpu.memref_slice %arg5[%squeeze3A, %dma_start3A_67] : memref<1000000x32xf32, #tpu.memory_space<hbm>> -> memref<1x32xf32, #tpu.memory_space<hbm>>
      %dma_start3A_69 = tpu.memref_squeeze %dma_start3A_68 : memref<1x32xf32, #tpu.memory_space<hbm>> -> memref<32xf32, #tpu.memory_space<hbm>>
      %dma_start3A_70 = arith.constant 0 : i32
      %dma_start3A_71 = tpu.memref_slice %arg17[%add3A_39, %dma_start3A_70] : memref<128x32xf32, #tpu.memory_space<vmem>> -> memref<1x32xf32, #tpu.memory_space<vmem>>
      %dma_start3A_72 = tpu.memref_squeeze %dma_start3A_71 : memref<1x32xf32, #tpu.memory_space<vmem>> -> memref<32xf32, #tpu.memory_space<vmem>>
      %dma_start3A_73 = arith.constant 0 : i32
      %dma_start3A_74 = tpu.memref_slice %arg5[%squeeze3A, %dma_start3A_73] : memref<1000000x32xf32, #tpu.memory_space<hbm>> -> memref<1x32xf32, #tpu.memory_space<hbm>>
      %dma_start3A_75 = tpu.memref_squeeze %dma_start3A_74 : memref<1x32xf32, #tpu.memory_space<hbm>> -> memref<32xf32, #tpu.memory_space<hbm>>
      tpu.enqueue_dma source(%dma_start3A_75 : memref<32xf32, #tpu.memory_space<hbm>>) target(%dma_start3A_72 : memref<32xf32, #tpu.memory_space<vmem>>) target_semaphore(%arg22 : memref<!tpu.dma_semaphore, #tpu.memory_space<semaphore_mem>>)
      %slice3A_76 = vector.extract_strided_slice %get3A_35 {offsets = [1], sizes = [1], strides = [1]} : vector<16xi32> to vector<1xi32>
      %squeeze3A_77 = vector.extract %slice3A_76[0] : i32 from vector<1xi32>
      %mul3A_78 = arith.constant 16 : i32
      %mul3A_79 = arith.muli %scan3A_31, %mul3A_78 : i32
      %add3A_80 = arith.constant 1 : i32
      %add3A_81 = arith.addi %mul3A_79, %add3A_80 : i32
      %dma_start3A_82 = arith.constant 0 : i32
      %dma_start3A_83 = tpu.memref_slice %arg14[%add3A_81, %dma_start3A_82] : memref<128x32xf32, #tpu.memory_space<vmem>> -> memref<1x32xf32, #tpu.memory_space<vmem>>
      %dma_start3A_84 = tpu.memref_squeeze %dma_start3A_83 : memref<1x32xf32, #tpu.memory_space<vmem>> -> memref<32xf32, #tpu.memory_space<vmem>>
      %dma_start3A_85 = arith.constant 0 : i32
      %dma_start3A_86 = tpu.memref_slice %arg2[%squeeze3A_77, %dma_start3A_85] : memref<1000000x32xf32, #tpu.memory_space<hbm>> -> memref<1x32xf32, #tpu.memory_space<hbm>>
      %dma_start3A_87 = tpu.memref_squeeze %dma_start3A_86 : memref<1x32xf32, #tpu.memory_space<hbm>> -> memref<32xf32, #tpu.memory_space<hbm>>
      %dma_start3A_88 = arith.constant 0 : i32
      %dma_start3A_89 = tpu.memref_slice %arg14[%add3A_81, %dma_start3A_88] : memref<128x32xf32, #tpu.memory_space<vmem>> -> memref<1x32xf32, #tpu.memory_space<vmem>>
      %dma_start3A_90 = tpu.memref_squeeze %dma_start3A_89 : memref<1x32xf32, #tpu.memory_space<vmem>> -> memref<32xf32, #tpu.memory_space<vmem>>
      %dma_start3A_91 = arith.constant 0 : i32
      %dma_start3A_92 = tpu.memref_slice %arg2[%squeeze3A_77, %dma_start3A_91] : memref<1000000x32xf32, #tpu.memory_space<hbm>> -> memref<1x32xf32, #tpu.memory_space<hbm>>
      %dma_start3A_93 = tpu.memref_squeeze %dma_start3A_92 : memref<1x32xf32, #tpu.memory_space<hbm>> -> memref<32xf32, #tpu.memory_space<hbm>>
      tpu.enqueue_dma source(%dma_start3A_93 : memref<32xf32, #tpu.memory_space<hbm>>) target(%dma_start3A_90 : memref<32xf32, #tpu.memory_space<vmem>>) target_semaphore(%arg19 : memref<!tpu.dma_semaphore, #tpu.memory_space<semaphore_mem>>)
      %dma_start3A_94 = arith.constant 0 : i32
      %dma_start3A_95 = tpu.memref_slice %arg15[%add3A_81, %dma_start3A_94] : memref<128x8xf32, #tpu.memory_space<vmem>> -> memref<1x8xf32, #tpu.memory_space<vmem>>
      %dma_start3A_96 = tpu.memref_squeeze %dma_start3A_95 : memref<1x8xf32, #tpu.memory_space<vmem>> -> memref<8xf32, #tpu.memory_space<vmem>>
      %dma_start3A_97 = arith.constant 0 : i32
      %dma_start3A_98 = tpu.memref_slice %arg3[%squeeze3A_77, %dma_start3A_97] : memref<1000000x8xf32, #tpu.memory_space<hbm>> -> memref<1x8xf32, #tpu.memory_space<hbm>>
      %dma_start3A_99 = tpu.memref_squeeze %dma_start3A_98 : memref<1x8xf32, #tpu.memory_space<hbm>> -> memref<8xf32, #tpu.memory_space<hbm>>
      %dma_start3A_100 = arith.constant 0 : i32
      %dma_start3A_101 = tpu.memref_slice %arg15[%add3A_81, %dma_start3A_100] : memref<128x8xf32, #tpu.memory_space<vmem>> -> memref<1x8xf32, #tpu.memory_space<vmem>>
      %dma_start3A_102 = tpu.memref_squeeze %dma_start3A_101 : memref<1x8xf32, #tpu.memory_space<vmem>> -> memref<8xf32, #tpu.memory_space<vmem>>
      %dma_start3A_103 = arith.constant 0 : i32
      %dma_start3A_104 = tpu.memref_slice %arg3[%squeeze3A_77, %dma_start3A_103] : memref<1000000x8xf32, #tpu.memory_space<hbm>> -> memref<1x8xf32, #tpu.memory_space<hbm>>
      %dma_start3A_105 = tpu.memref_squeeze %dma_start3A_104 : memref<1x8xf32, #tpu.memory_space<hbm>> -> memref<8xf32, #tpu.memory_space<hbm>>
      tpu.enqueue_dma source(%dma_start3A_105 : memref<8xf32, #tpu.memory_space<hbm>>) target(%dma_start3A_102 : memref<8xf32, #tpu.memory_space<vmem>>) target_semaphore(%arg20 : memref<!tpu.dma_semaphore, #tpu.memory_space<semaphore_mem>>)
      %dma_start3A_106 = arith.constant 0 : i32
      %dma_start3A_107 = tpu.memref_slice %arg17[%add3A_81, %dma_start3A_106] : memref<128x32xf32, #tpu.memory_space<vmem>> -> memref<1x32xf32, #tpu.memory_space<vmem>>
      %dma_start3A_108 = tpu.memref_squeeze %dma_start3A_107 : memref<1x32xf32, #tpu.memory_space<vmem>> -> memref<32xf32, #tpu.memory_space<vmem>>
      %dma_start3A_109 = arith.constant 0 : i32
      %dma_start3A_110 = tpu.memref_slice %arg5[%squeeze3A_77, %dma_start3A_109] : memref<1000000x32xf32, #tpu.memory_space<hbm>> -> memref<1x32xf32, #tpu.memory_space<hbm>>
      %dma_start3A_111 = tpu.memref_squeeze %dma_start3A_110 : memref<1x32xf32, #tpu.memory_space<hbm>> -> memref<32xf32, #tpu.memory_space<hbm>>
      %dma_start3A_112 = arith.constant 0 : i32
      %dma_start3A_113 = tpu.memref_slice %arg17[%add3A_81, %dma_start3A_112] : memref<128x32xf32, #tpu.memory_space<vmem>> -> memref<1x32xf32, #tpu.memory_space<vmem>>
      %dma_start3A_114 = tpu.memref_squeeze %dma_start3A_113 : memref<1x32xf32, #tpu.memory_space<vmem>> -> memref<32xf32, #tpu.memory_space<vmem>>
      %dma_start3A_115 = arith.constant 0 : i32
      %dma_start3A_116 = tpu.memref_slice %arg5[%squeeze3A_77, %dma_start3A_115] : memref<1000000x32xf32, #tpu.memory_space<hbm>> -> memref<1x32xf32, #tpu.memory_space<hbm>>
      %dma_start3A_117 = tpu.memref_squeeze %dma_start3A_116 : memref<1x32xf32, #tpu.memory_space<hbm>> -> memref<32xf32, #tpu.memory_space<hbm>>
      tpu.enqueue_dma source(%dma_start3A_117 : memref<32xf32, #tpu.memory_space<hbm>>) target(%dma_start3A_114 : memref<32xf32, #tpu.memory_space<vmem>>) target_semaphore(%arg22 : memref<!tpu.dma_semaphore, #tpu.memory_space<semaphore_mem>>)
      %slice3A_118 = vector.extract_strided_slice %get3A_35 {offsets = [2], sizes = [1], strides = [1]} : vector<16xi32> to vector<1xi32>
      %squeeze3A_119 = vector.extract %slice3A_118[0] : i32 from vector<1xi32>
      %mul3A_120 = arith.constant 16 : i32
      %mul3A_121 = arith.muli %scan3A_31, %mul3A_120 : i32
      %add3A_122 = arith.constant 2 : i32
      %add3A_123 = arith.addi %mul3A_121, %add3A_122 : i32
      %dma_start3A_124 = arith.constant 0 : i32
      %dma_start3A_125 = tpu.memref_slice %arg14[%add3A_123, %dma_start3A_124] : memref<128x32xf32, #tpu.memory_space<vmem>> -> memref<1x32xf32, #tpu.memory_space<vmem>>
      %dma_start3A_126 = tpu.memref_squeeze %dma_start3A_125 : memref<1x32xf32, #tpu.memory_space<vmem>> -> memref<32xf32, #tpu.memory_space<vmem>>
      %dma_start3A_127 = arith.constant 0 : i32
      %dma_start3A_128 = tpu.memref_slice %arg2[%squeeze3A_119, %dma_start3A_127] : memref<1000000x32xf32, #tpu.memory_space<hbm>> -> memref<1x32xf32, #tpu.memory_space<hbm>>
      %dma_start3A_129 = tpu.memref_squeeze %dma_start3A_128 : memref<1x32xf32, #tpu.memory_space<hbm>> -> memref<32xf32, #tpu.memory_space<hbm>>
      %dma_start3A_130 = arith.constant 0 : i32
      %dma_start3A_131 = tpu.memref_slice %arg14[%add3A_123, %dma_start3A_130] : memref<128x32xf32, #tpu.memory_space<vmem>> -> memref<1x32xf32, #tpu.memory_space<vmem>>
      %dma_start3A_132 = tpu.memref_squeeze %dma_start3A_131 : memref<1x32xf32, #tpu.memory_space<vmem>> -> memref<32xf32, #tpu.memory_space<vmem>>
      %dma_start3A_133 = arith.constant 0 : i32
      %dma_start3A_134 = tpu.memref_slice %arg2[%squeeze3A_119, %dma_start3A_133] : memref<1000000x32xf32, #tpu.memory_space<hbm>> -> memref<1x32xf32, #tpu.memory_space<hbm>>
      %dma_start3A_135 = tpu.memref_squeeze %dma_start3A_134 : memref<1x32xf32, #tpu.memory_space<hbm>> -> memref<32xf32, #tpu.memory_space<hbm>>
      tpu.enqueue_dma source(%dma_start3A_135 : memref<32xf32, #tpu.memory_space<hbm>>) target(%dma_start3A_132 : memref<32xf32, #tpu.memory_space<vmem>>) target_semaphore(%arg19 : memref<!tpu.dma_semaphore, #tpu.memory_space<semaphore_mem>>)
      %dma_start3A_136 = arith.constant 0 : i32
      %dma_start3A_137 = tpu.memref_slice %arg15[%add3A_123, %dma_start3A_136] : memref<128x8xf32, #tpu.memory_space<vmem>> -> memref<1x8xf32, #tpu.memory_space<vmem>>
      %dma_start3A_138 = tpu.memref_squeeze %dma_start3A_137 : memref<1x8xf32, #tpu.memory_space<vmem>> -> memref<8xf32, #tpu.memory_space<vmem>>
      %dma_start3A_139 = arith.constant 0 : i32
      %dma_start3A_140 = tpu.memref_slice %arg3[%squeeze3A_119, %dma_start3A_139] : memref<1000000x8xf32, #tpu.memory_space<hbm>> -> memref<1x8xf32, #tpu.memory_space<hbm>>
      %dma_start3A_141 = tpu.memref_squeeze %dma_start3A_140 : memref<1x8xf32, #tpu.memory_space<hbm>> -> memref<8xf32, #tpu.memory_space<hbm>>
      %dma_start3A_142 = arith.constant 0 : i32
      %dma_start3A_143 = tpu.memref_slice %arg15[%add3A_123, %dma_start3A_142] : memref<128x8xf32, #tpu.memory_space<vmem>> -> memref<1x8xf32, #tpu.memory_space<vmem>>
      %dma_start3A_144 = tpu.memref_squeeze %dma_start3A_143 : memref<1x8xf32, #tpu.memory_space<vmem>> -> memref<8xf32, #tpu.memory_space<vmem>>
      %dma_start3A_145 = arith.constant 0 : i32
      %dma_start3A_146 = tpu.memref_slice %arg3[%squeeze3A_119, %dma_start3A_145] : memref<1000000x8xf32, #tpu.memory_space<hbm>> -> memref<1x8xf32, #tpu.memory_space<hbm>>
      %dma_start3A_147 = tpu.memref_squeeze %dma_start3A_146 : memref<1x8xf32, #tpu.memory_space<hbm>> -> memref<8xf32, #tpu.memory_space<hbm>>
      tpu.enqueue_dma source(%dma_start3A_147 : memref<8xf32, #tpu.memory_space<hbm>>) target(%dma_start3A_144 : memref<8xf32, #tpu.memory_space<vmem>>) target_semaphore(%arg20 : memref<!tpu.dma_semaphore, #tpu.memory_space<semaphore_mem>>)
      %dma_start3A_148 = arith.constant 0 : i32
      %dma_start3A_149 = tpu.memref_slice %arg17[%add3A_123, %dma_start3A_148] : memref<128x32xf32, #tpu.memory_space<vmem>> -> memref<1x32xf32, #tpu.memory_space<vmem>>
      %dma_start3A_150 = tpu.memref_squeeze %dma_start3A_149 : memref<1x32xf32, #tpu.memory_space<vmem>> -> memref<32xf32, #tpu.memory_space<vmem>>
      %dma_start3A_151 = arith.constant 0 : i32
      %dma_start3A_152 = tpu.memref_slice %arg5[%squeeze3A_119, %dma_start3A_151] : memref<1000000x32xf32, #tpu.memory_space<hbm>> -> memref<1x32xf32, #tpu.memory_space<hbm>>
      %dma_start3A_153 = tpu.memref_squeeze %dma_start3A_152 : memref<1x32xf32, #tpu.memory_space<hbm>> -> memref<32xf32, #tpu.memory_space<hbm>>
      %dma_start3A_154 = arith.constant 0 : i32
      %dma_start3A_155 = tpu.memref_slice %arg17[%add3A_123, %dma_start3A_154] : memref<128x32xf32, #tpu.memory_space<vmem>> -> memref<1x32xf32, #tpu.memory_space<vmem>>
      %dma_start3A_156 = tpu.memref_squeeze %dma_start3A_155 : memref<1x32xf32, #tpu.memory_space<vmem>> -> memref<32xf32, #tpu.memory_space<vmem>>
      %dma_start3A_157 = arith.constant 0 : i32
      %dma_start3A_158 = tpu.memref_slice %arg5[%squeeze3A_119, %dma_start3A_157] : memref<1000000x32xf32, #tpu.memory_space<hbm>> -> memref<1x32xf32, #tpu.memory_space<hbm>>
      %dma_start3A_159 = tpu.memref_squeeze %dma_start3A_158 : memref<1x32xf32, #tpu.memory_space<hbm>> -> memref<32xf32, #tpu.memory_space<hbm>>
      tpu.enqueue_dma source(%dma_start3A_159 : memref<32xf32, #tpu.memory_space<hbm>>) target(%dma_start3A_156 : memref<32xf32, #tpu.memory_space<vmem>>) target_semaphore(%arg22 : memref<!tpu.dma_semaphore, #tpu.memory_space<semaphore_mem>>)
      %slice3A_160 = vector.extract_strided_slice %get3A_35 {offsets = [3], sizes = [1], strides = [1]} : vector<16xi32> to vector<1xi32>
      %squeeze3A_161 = vector.extract %slice3A_160[0] : i32 from vector<1xi32>
      %mul3A_162 = arith.constant 16 : i32
      %mul3A_163 = arith.muli %scan3A_31, %mul3A_162 : i32
      %add3A_164 = arith.constant 3 : i32
      %add3A_165 = arith.addi %mul3A_163, %add3A_164 : i32
      %dma_start3A_166 = arith.constant 0 : i32
      %dma_start3A_167 = tpu.memref_slice %arg14[%add3A_165, %dma_start3A_166] : memref<128x32xf32, #tpu.memory_space<vmem>> -> memref<1x32xf32, #tpu.memory_space<vmem>>
      %dma_start3A_168 = tpu.memref_squeeze %dma_start3A_167 : memref<1x32xf32, #tpu.memory_space<vmem>> -> memref<32xf32, #tpu.memory_space<vmem>>
      %dma_start3A_169 = arith.constant 0 : i32
      %dma_start3A_170 = tpu.memref_slice %arg2[%squeeze3A_161, %dma_start3A_169] : memref<1000000x32xf32, #tpu.memory_space<hbm>> -> memref<1x32xf32, #tpu.memory_space<hbm>>
      %dma_start3A_171 = tpu.memref_squeeze %dma_start3A_170 : memref<1x32xf32, #tpu.memory_space<hbm>> -> memref<32xf32, #tpu.memory_space<hbm>>
      %dma_start3A_172 = arith.constant 0 : i32
      %dma_start3A_173 = tpu.memref_slice %arg14[%add3A_165, %dma_start3A_172] : memref<128x32xf32, #tpu.memory_space<vmem>> -> memref<1x32xf32, #tpu.memory_space<vmem>>
      %dma_start3A_174 = tpu.memref_squeeze %dma_start3A_173 : memref<1x32xf32, #tpu.memory_space<vmem>> -> memref<32xf32, #tpu.memory_space<vmem>>
      %dma_start3A_175 = arith.constant 0 : i32
      %dma_start3A_176 = tpu.memref_slice %arg2[%squeeze3A_161, %dma_start3A_175] : memref<1000000x32xf32, #tpu.memory_space<hbm>> -> memref<1x32xf32, #tpu.memory_space<hbm>>
      %dma_start3A_177 = tpu.memref_squeeze %dma_start3A_176 : memref<1x32xf32, #tpu.memory_space<hbm>> -> memref<32xf32, #tpu.memory_space<hbm>>
      tpu.enqueue_dma source(%dma_start3A_177 : memref<32xf32, #tpu.memory_space<hbm>>) target(%dma_start3A_174 : memref<32xf32, #tpu.memory_space<vmem>>) target_semaphore(%arg19 : memref<!tpu.dma_semaphore, #tpu.memory_space<semaphore_mem>>)
      %dma_start3A_178 = arith.constant 0 : i32
      %dma_start3A_179 = tpu.memref_slice %arg15[%add3A_165, %dma_start3A_178] : memref<128x8xf32, #tpu.memory_space<vmem>> -> memref<1x8xf32, #tpu.memory_space<vmem>>
      %dma_start3A_180 = tpu.memref_squeeze %dma_start3A_179 : memref<1x8xf32, #tpu.memory_space<vmem>> -> memref<8xf32, #tpu.memory_space<vmem>>
      %dma_start3A_181 = arith.constant 0 : i32
      %dma_start3A_182 = tpu.memref_slice %arg3[%squeeze3A_161, %dma_start3A_181] : memref<1000000x8xf32, #tpu.memory_space<hbm>> -> memref<1x8xf32, #tpu.memory_space<hbm>>
      %dma_start3A_183 = tpu.memref_squeeze %dma_start3A_182 : memref<1x8xf32, #tpu.memory_space<hbm>> -> memref<8xf32, #tpu.memory_space<hbm>>
      %dma_start3A_184 = arith.constant 0 : i32
      %dma_start3A_185 = tpu.memref_slice %arg15[%add3A_165, %dma_start3A_184] : memref<128x8xf32, #tpu.memory_space<vmem>> -> memref<1x8xf32, #tpu.memory_space<vmem>>
      %dma_start3A_186 = tpu.memref_squeeze %dma_start3A_185 : memref<1x8xf32, #tpu.memory_space<vmem>> -> memref<8xf32, #tpu.memory_space<vmem>>
      %dma_start3A_187 = arith.constant 0 : i32
      %dma_start3A_188 = tpu.memref_slice %arg3[%squeeze3A_161, %dma_start3A_187] : memref<1000000x8xf32, #tpu.memory_space<hbm>> -> memref<1x8xf32, #tpu.memory_space<hbm>>
      %dma_start3A_189 = tpu.memref_squeeze %dma_start3A_188 : memref<1x8xf32, #tpu.memory_space<hbm>> -> memref<8xf32, #tpu.memory_space<hbm>>
      tpu.enqueue_dma source(%dma_start3A_189 : memref<8xf32, #tpu.memory_space<hbm>>) target(%dma_start3A_186 : memref<8xf32, #tpu.memory_space<vmem>>) target_semaphore(%arg20 : memref<!tpu.dma_semaphore, #tpu.memory_space<semaphore_mem>>)
      %dma_start3A_190 = arith.constant 0 : i32
      %dma_start3A_191 = tpu.memref_slice %arg17[%add3A_165, %dma_start3A_190] : memref<128x32xf32, #tpu.memory_space<vmem>> -> memref<1x32xf32, #tpu.memory_space<vmem>>
      %dma_start3A_192 = tpu.memref_squeeze %dma_start3A_191 : memref<1x32xf32, #tpu.memory_space<vmem>> -> memref<32xf32, #tpu.memory_space<vmem>>
      %dma_start3A_193 = arith.constant 0 : i32
      %dma_start3A_194 = tpu.memref_slice %arg5[%squeeze3A_161, %dma_start3A_193] : memref<1000000x32xf32, #tpu.memory_space<hbm>> -> memref<1x32xf32, #tpu.memory_space<hbm>>
      %dma_start3A_195 = tpu.memref_squeeze %dma_start3A_194 : memref<1x32xf32, #tpu.memory_space<hbm>> -> memref<32xf32, #tpu.memory_space<hbm>>
      %dma_start3A_196 = arith.constant 0 : i32
      %dma_start3A_197 = tpu.memref_slice %arg17[%add3A_165, %dma_start3A_196] : memref<128x32xf32, #tpu.memory_space<vmem>> -> memref<1x32xf32, #tpu.memory_space<vmem>>
      %dma_start3A_198 = tpu.memref_squeeze %dma_start3A_197 : memref<1x32xf32, #tpu.memory_space<vmem>> -> memref<32xf32, #tpu.memory_space<vmem>>
      %dma_start3A_199 = arith.constant 0 : i32
      %dma_start3A_200 = tpu.memref_slice %arg5[%squeeze3A_161, %dma_start3A_199] : memref<1000000x32xf32, #tpu.memory_space<hbm>> -> memref<1x32xf32, #tpu.memory_space<hbm>>
      %dma_start3A_201 = tpu.memref_squeeze %dma_start3A_200 : memref<1x32xf32, #tpu.memory_space<hbm>> -> memref<32xf32, #tpu.memory_space<hbm>>
      tpu.enqueue_dma source(%dma_start3A_201 : memref<32xf32, #tpu.memory_space<hbm>>) target(%dma_start3A_198 : memref<32xf32, #tpu.memory_space<vmem>>) target_semaphore(%arg22 : memref<!tpu.dma_semaphore, #tpu.memory_space<semaphore_mem>>)
      %slice3A_202 = vector.extract_strided_slice %get3A_35 {offsets = [4], sizes = [1], strides = [1]} : vector<16xi32> to vector<1xi32>
      %squeeze3A_203 = vector.extract %slice3A_202[0] : i32 from vector<1xi32>
      %mul3A_204 = arith.constant 16 : i32
      %mul3A_205 = arith.muli %scan3A_31, %mul3A_204 : i32
      %add3A_206 = arith.constant 4 : i32
      %add3A_207 = arith.addi %mul3A_205, %add3A_206 : i32
      %dma_start3A_208 = arith.constant 0 : i32
      %dma_start3A_209 = tpu.memref_slice %arg14[%add3A_207, %dma_start3A_208] : memref<128x32xf32, #tpu.memory_space<vmem>> -> memref<1x32xf32, #tpu.memory_space<vmem>>
      %dma_start3A_210 = tpu.memref_squeeze %dma_start3A_209 : memref<1x32xf32, #tpu.memory_space<vmem>> -> memref<32xf32, #tpu.memory_space<vmem>>
      %dma_start3A_211 = arith.constant 0 : i32
      %dma_start3A_212 = tpu.memref_slice %arg2[%squeeze3A_203, %dma_start3A_211] : memref<1000000x32xf32, #tpu.memory_space<hbm>> -> memref<1x32xf32, #tpu.memory_space<hbm>>
      %dma_start3A_213 = tpu.memref_squeeze %dma_start3A_212 : memref<1x32xf32, #tpu.memory_space<hbm>> -> memref<32xf32, #tpu.memory_space<hbm>>
      %dma_start3A_214 = arith.constant 0 : i32
      %dma_start3A_215 = tpu.memref_slice %arg14[%add3A_207, %dma_start3A_214] : memref<128x32xf32, #tpu.memory_space<vmem>> -> memref<1x32xf32, #tpu.memory_space<vmem>>
      %dma_start3A_216 = tpu.memref_squeeze %dma_start3A_215 : memref<1x32xf32, #tpu.memory_space<vmem>> -> memref<32xf32, #tpu.memory_space<vmem>>
      %dma_start3A_217 = arith.constant 0 : i32
      %dma_start3A_218 = tpu.memref_slice %arg2[%squeeze3A_203, %dma_start3A_217] : memref<1000000x32xf32, #tpu.memory_space<hbm>> -> memref<1x32xf32, #tpu.memory_space<hbm>>
      %dma_start3A_219 = tpu.memref_squeeze %dma_start3A_218 : memref<1x32xf32, #tpu.memory_space<hbm>> -> memref<32xf32, #tpu.memory_space<hbm>>
      tpu.enqueue_dma source(%dma_start3A_219 : memref<32xf32, #tpu.memory_space<hbm>>) target(%dma_start3A_216 : memref<32xf32, #tpu.memory_space<vmem>>) target_semaphore(%arg19 : memref<!tpu.dma_semaphore, #tpu.memory_space<semaphore_mem>>)
      %dma_start3A_220 = arith.constant 0 : i32
      %dma_start3A_221 = tpu.memref_slice %arg15[%add3A_207, %dma_start3A_220] : memref<128x8xf32, #tpu.memory_space<vmem>> -> memref<1x8xf32, #tpu.memory_space<vmem>>
      %dma_start3A_222 = tpu.memref_squeeze %dma_start3A_221 : memref<1x8xf32, #tpu.memory_space<vmem>> -> memref<8xf32, #tpu.memory_space<vmem>>
      %dma_start3A_223 = arith.constant 0 : i32
      %dma_start3A_224 = tpu.memref_slice %arg3[%squeeze3A_203, %dma_start3A_223] : memref<1000000x8xf32, #tpu.memory_space<hbm>> -> memref<1x8xf32, #tpu.memory_space<hbm>>
      %dma_start3A_225 = tpu.memref_squeeze %dma_start3A_224 : memref<1x8xf32, #tpu.memory_space<hbm>> -> memref<8xf32, #tpu.memory_space<hbm>>
      %dma_start3A_226 = arith.constant 0 : i32
      %dma_start3A_227 = tpu.memref_slice %arg15[%add3A_207, %dma_start3A_226] : memref<128x8xf32, #tpu.memory_space<vmem>> -> memref<1x8xf32, #tpu.memory_space<vmem>>
      %dma_start3A_228 = tpu.memref_squeeze %dma_start3A_227 : memref<1x8xf32, #tpu.memory_space<vmem>> -> memref<8xf32, #tpu.memory_space<vmem>>
      %dma_start3A_229 = arith.constant 0 : i32
      %dma_start3A_230 = tpu.memref_slice %arg3[%squeeze3A_203, %dma_start3A_229] : memref<1000000x8xf32, #tpu.memory_space<hbm>> -> memref<1x8xf32, #tpu.memory_space<hbm>>
      %dma_start3A_231 = tpu.memref_squeeze %dma_start3A_230 : memref<1x8xf32, #tpu.memory_space<hbm>> -> memref<8xf32, #tpu.memory_space<hbm>>
      tpu.enqueue_dma source(%dma_start3A_231 : memref<8xf32, #tpu.memory_space<hbm>>) target(%dma_start3A_228 : memref<8xf32, #tpu.memory_space<vmem>>) target_semaphore(%arg20 : memref<!tpu.dma_semaphore, #tpu.memory_space<semaphore_mem>>)
      %dma_start3A_232 = arith.constant 0 : i32
      %dma_start3A_233 = tpu.memref_slice %arg17[%add3A_207, %dma_start3A_232] : memref<128x32xf32, #tpu.memory_space<vmem>> -> memref<1x32xf32, #tpu.memory_space<vmem>>
      %dma_start3A_234 = tpu.memref_squeeze %dma_start3A_233 : memref<1x32xf32, #tpu.memory_space<vmem>> -> memref<32xf32, #tpu.memory_space<vmem>>
      %dma_start3A_235 = arith.constant 0 : i32
      %dma_start3A_236 = tpu.memref_slice %arg5[%squeeze3A_203, %dma_start3A_235] : memref<1000000x32xf32, #tpu.memory_space<hbm>> -> memref<1x32xf32, #tpu.memory_space<hbm>>
      %dma_start3A_237 = tpu.memref_squeeze %dma_start3A_236 : memref<1x32xf32, #tpu.memory_space<hbm>> -> memref<32xf32, #tpu.memory_space<hbm>>
      %dma_start3A_238 = arith.constant 0 : i32
      %dma_start3A_239 = tpu.memref_slice %arg17[%add3A_207, %dma_start3A_238] : memref<128x32xf32, #tpu.memory_space<vmem>> -> memref<1x32xf32, #tpu.memory_space<vmem>>
      %dma_start3A_240 = tpu.memref_squeeze %dma_start3A_239 : memref<1x32xf32, #tpu.memory_space<vmem>> -> memref<32xf32, #tpu.memory_space<vmem>>
      %dma_start3A_241 = arith.constant 0 : i32
      %dma_start3A_242 = tpu.memref_slice %arg5[%squeeze3A_203, %dma_start3A_241] : memref<1000000x32xf32, #tpu.memory_space<hbm>> -> memref<1x32xf32, #tpu.memory_space<hbm>>
      %dma_start3A_243 = tpu.memref_squeeze %dma_start3A_242 : memref<1x32xf32, #tpu.memory_space<hbm>> -> memref<32xf32, #tpu.memory_space<hbm>>
      tpu.enqueue_dma source(%dma_start3A_243 : memref<32xf32, #tpu.memory_space<hbm>>) target(%dma_start3A_240 : memref<32xf32, #tpu.memory_space<vmem>>) target_semaphore(%arg22 : memref<!tpu.dma_semaphore, #tpu.memory_space<semaphore_mem>>)
      %slice3A_244 = vector.extract_strided_slice %get3A_35 {offsets = [5], sizes = [1], strides = [1]} : vector<16xi32> to vector<1xi32>
      %squeeze3A_245 = vector.extract %slice3A_244[0] : i32 from vector<1xi32>
      %mul3A_246 = arith.constant 16 : i32
      %mul3A_247 = arith.muli %scan3A_31, %mul3A_246 : i32
      %add3A_248 = arith.constant 5 : i32
      %add3A_249 = arith.addi %mul3A_247, %add3A_248 : i32
      %dma_start3A_250 = arith.constant 0 : i32
      %dma_start3A_251 = tpu.memref_slice %arg14[%add3A_249, %dma_start3A_250] : memref<128x32xf32, #tpu.memory_space<vmem>> -> memref<1x32xf32, #tpu.memory_space<vmem>>
      %dma_start3A_252 = tpu.memref_squeeze %dma_start3A_251 : memref<1x32xf32, #tpu.memory_space<vmem>> -> memref<32xf32, #tpu.memory_space<vmem>>
      %dma_start3A_253 = arith.constant 0 : i32
      %dma_start3A_254 = tpu.memref_slice %arg2[%squeeze3A_245, %dma_start3A_253] : memref<1000000x32xf32, #tpu.memory_space<hbm>> -> memref<1x32xf32, #tpu.memory_space<hbm>>
      %dma_start3A_255 = tpu.memref_squeeze %dma_start3A_254 : memref<1x32xf32, #tpu.memory_space<hbm>> -> memref<32xf32, #tpu.memory_space<hbm>>
      %dma_start3A_256 = arith.constant 0 : i32
      %dma_start3A_257 = tpu.memref_slice %arg14[%add3A_249, %dma_start3A_256] : memref<128x32xf32, #tpu.memory_space<vmem>> -> memref<1x32xf32, #tpu.memory_space<vmem>>
      %dma_start3A_258 = tpu.memref_squeeze %dma_start3A_257 : memref<1x32xf32, #tpu.memory_space<vmem>> -> memref<32xf32, #tpu.memory_space<vmem>>
      %dma_start3A_259 = arith.constant 0 : i32
      %dma_start3A_260 = tpu.memref_slice %arg2[%squeeze3A_245, %dma_start3A_259] : memref<1000000x32xf32, #tpu.memory_space<hbm>> -> memref<1x32xf32, #tpu.memory_space<hbm>>
      %dma_start3A_261 = tpu.memref_squeeze %dma_start3A_260 : memref<1x32xf32, #tpu.memory_space<hbm>> -> memref<32xf32, #tpu.memory_space<hbm>>
      tpu.enqueue_dma source(%dma_start3A_261 : memref<32xf32, #tpu.memory_space<hbm>>) target(%dma_start3A_258 : memref<32xf32, #tpu.memory_space<vmem>>) target_semaphore(%arg19 : memref<!tpu.dma_semaphore, #tpu.memory_space<semaphore_mem>>)
      %dma_start3A_262 = arith.constant 0 : i32
      %dma_start3A_263 = tpu.memref_slice %arg15[%add3A_249, %dma_start3A_262] : memref<128x8xf32, #tpu.memory_space<vmem>> -> memref<1x8xf32, #tpu.memory_space<vmem>>
      %dma_start3A_264 = tpu.memref_squeeze %dma_start3A_263 : memref<1x8xf32, #tpu.memory_space<vmem>> -> memref<8xf32, #tpu.memory_space<vmem>>
      %dma_start3A_265 = arith.constant 0 : i32
      %dma_start3A_266 = tpu.memref_slice %arg3[%squeeze3A_245, %dma_start3A_265] : memref<1000000x8xf32, #tpu.memory_space<hbm>> -> memref<1x8xf32, #tpu.memory_space<hbm>>
      %dma_start3A_267 = tpu.memref_squeeze %dma_start3A_266 : memref<1x8xf32, #tpu.memory_space<hbm>> -> memref<8xf32, #tpu.memory_space<hbm>>
      %dma_start3A_268 = arith.constant 0 : i32
      %dma_start3A_269 = tpu.memref_slice %arg15[%add3A_249, %dma_start3A_268] : memref<128x8xf32, #tpu.memory_space<vmem>> -> memref<1x8xf32, #tpu.memory_space<vmem>>
      %dma_start3A_270 = tpu.memref_squeeze %dma_start3A_269 : memref<1x8xf32, #tpu.memory_space<vmem>> -> memref<8xf32, #tpu.memory_space<vmem>>
      %dma_start3A_271 = arith.constant 0 : i32
      %dma_start3A_272 = tpu.memref_slice %arg3[%squeeze3A_245, %dma_start3A_271] : memref<1000000x8xf32, #tpu.memory_space<hbm>> -> memref<1x8xf32, #tpu.memory_space<hbm>>
      %dma_start3A_273 = tpu.memref_squeeze %dma_start3A_272 : memref<1x8xf32, #tpu.memory_space<hbm>> -> memref<8xf32, #tpu.memory_space<hbm>>
      tpu.enqueue_dma source(%dma_start3A_273 : memref<8xf32, #tpu.memory_space<hbm>>) target(%dma_start3A_270 : memref<8xf32, #tpu.memory_space<vmem>>) target_semaphore(%arg20 : memref<!tpu.dma_semaphore, #tpu.memory_space<semaphore_mem>>)
      %dma_start3A_274 = arith.constant 0 : i32
      %dma_start3A_275 = tpu.memref_slice %arg17[%add3A_249, %dma_start3A_274] : memref<128x32xf32, #tpu.memory_space<vmem>> -> memref<1x32xf32, #tpu.memory_space<vmem>>
      %dma_start3A_276 = tpu.memref_squeeze %dma_start3A_275 : memref<1x32xf32, #tpu.memory_space<vmem>> -> memref<32xf32, #tpu.memory_space<vmem>>
      %dma_start3A_277 = arith.constant 0 : i32
      %dma_start3A_278 = tpu.memref_slice %arg5[%squeeze3A_245, %dma_start3A_277] : memref<1000000x32xf32, #tpu.memory_space<hbm>> -> memref<1x32xf32, #tpu.memory_space<hbm>>
      %dma_start3A_279 = tpu.memref_squeeze %dma_start3A_278 : memref<1x32xf32, #tpu.memory_space<hbm>> -> memref<32xf32, #tpu.memory_space<hbm>>
      %dma_start3A_280 = arith.constant 0 : i32
      %dma_start3A_281 = tpu.memref_slice %arg17[%add3A_249, %dma_start3A_280] : memref<128x32xf32, #tpu.memory_space<vmem>> -> memref<1x32xf32, #tpu.memory_space<vmem>>
      %dma_start3A_282 = tpu.memref_squeeze %dma_start3A_281 : memref<1x32xf32, #tpu.memory_space<vmem>> -> memref<32xf32, #tpu.memory_space<vmem>>
      %dma_start3A_283 = arith.constant 0 : i32
      %dma_start3A_284 = tpu.memref_slice %arg5[%squeeze3A_245, %dma_start3A_283] : memref<1000000x32xf32, #tpu.memory_space<hbm>> -> memref<1x32xf32, #tpu.memory_space<hbm>>
      %dma_start3A_285 = tpu.memref_squeeze %dma_start3A_284 : memref<1x32xf32, #tpu.memory_space<hbm>> -> memref<32xf32, #tpu.memory_space<hbm>>
      tpu.enqueue_dma source(%dma_start3A_285 : memref<32xf32, #tpu.memory_space<hbm>>) target(%dma_start3A_282 : memref<32xf32, #tpu.memory_space<vmem>>) target_semaphore(%arg22 : memref<!tpu.dma_semaphore, #tpu.memory_space<semaphore_mem>>)
      %slice3A_286 = vector.extract_strided_slice %get3A_35 {offsets = [6], sizes = [1], strides = [1]} : vector<16xi32> to vector<1xi32>
      %squeeze3A_287 = vector.extract %slice3A_286[0] : i32 from vector<1xi32>
      %mul3A_288 = arith.constant 16 : i32
      %mul3A_289 = arith.muli %scan3A_31, %mul3A_288 : i32
      %add3A_290 = arith.constant 6 : i32
      %add3A_291 = arith.addi %mul3A_289, %add3A_290 : i32
      %dma_start3A_292 = arith.constant 0 : i32
      %dma_start3A_293 = tpu.memref_slice %arg14[%add3A_291, %dma_start3A_292] : memref<128x32xf32, #tpu.memory_space<vmem>> -> memref<1x32xf32, #tpu.memory_space<vmem>>
      %dma_start3A_294 = tpu.memref_squeeze %dma_start3A_293 : memref<1x32xf32, #tpu.memory_space<vmem>> -> memref<32xf32, #tpu.memory_space<vmem>>
      %dma_start3A_295 = arith.constant 0 : i32
      %dma_start3A_296 = tpu.memref_slice %arg2[%squeeze3A_287, %dma_start3A_295] : memref<1000000x32xf32, #tpu.memory_space<hbm>> -> memref<1x32xf32, #tpu.memory_space<hbm>>
      %dma_start3A_297 = tpu.memref_squeeze %dma_start3A_296 : memref<1x32xf32, #tpu.memory_space<hbm>> -> memref<32xf32, #tpu.memory_space<hbm>>
      %dma_start3A_298 = arith.constant 0 : i32
      %dma_start3A_299 = tpu.memref_slice %arg14[%add3A_291, %dma_start3A_298] : memref<128x32xf32, #tpu.memory_space<vmem>> -> memref<1x32xf32, #tpu.memory_space<vmem>>
      %dma_start3A_300 = tpu.memref_squeeze %dma_start3A_299 : memref<1x32xf32, #tpu.memory_space<vmem>> -> memref<32xf32, #tpu.memory_space<vmem>>
      %dma_start3A_301 = arith.constant 0 : i32
      %dma_start3A_302 = tpu.memref_slice %arg2[%squeeze3A_287, %dma_start3A_301] : memref<1000000x32xf32, #tpu.memory_space<hbm>> -> memref<1x32xf32, #tpu.memory_space<hbm>>
      %dma_start3A_303 = tpu.memref_squeeze %dma_start3A_302 : memref<1x32xf32, #tpu.memory_space<hbm>> -> memref<32xf32, #tpu.memory_space<hbm>>
      tpu.enqueue_dma source(%dma_start3A_303 : memref<32xf32, #tpu.memory_space<hbm>>) target(%dma_start3A_300 : memref<32xf32, #tpu.memory_space<vmem>>) target_semaphore(%arg19 : memref<!tpu.dma_semaphore, #tpu.memory_space<semaphore_mem>>)
      %dma_start3A_304 = arith.constant 0 : i32
      %dma_start3A_305 = tpu.memref_slice %arg15[%add3A_291, %dma_start3A_304] : memref<128x8xf32, #tpu.memory_space<vmem>> -> memref<1x8xf32, #tpu.memory_space<vmem>>
      %dma_start3A_306 = tpu.memref_squeeze %dma_start3A_305 : memref<1x8xf32, #tpu.memory_space<vmem>> -> memref<8xf32, #tpu.memory_space<vmem>>
      %dma_start3A_307 = arith.constant 0 : i32
      %dma_start3A_308 = tpu.memref_slice %arg3[%squeeze3A_287, %dma_start3A_307] : memref<1000000x8xf32, #tpu.memory_space<hbm>> -> memref<1x8xf32, #tpu.memory_space<hbm>>
      %dma_start3A_309 = tpu.memref_squeeze %dma_start3A_308 : memref<1x8xf32, #tpu.memory_space<hbm>> -> memref<8xf32, #tpu.memory_space<hbm>>
      %dma_start3A_310 = arith.constant 0 : i32
      %dma_start3A_311 = tpu.memref_slice %arg15[%add3A_291, %dma_start3A_310] : memref<128x8xf32, #tpu.memory_space<vmem>> -> memref<1x8xf32, #tpu.memory_space<vmem>>
      %dma_start3A_312 = tpu.memref_squeeze %dma_start3A_311 : memref<1x8xf32, #tpu.memory_space<vmem>> -> memref<8xf32, #tpu.memory_space<vmem>>
      %dma_start3A_313 = arith.constant 0 : i32
      %dma_start3A_314 = tpu.memref_slice %arg3[%squeeze3A_287, %dma_start3A_313] : memref<1000000x8xf32, #tpu.memory_space<hbm>> -> memref<1x8xf32, #tpu.memory_space<hbm>>
      %dma_start3A_315 = tpu.memref_squeeze %dma_start3A_314 : memref<1x8xf32, #tpu.memory_space<hbm>> -> memref<8xf32, #tpu.memory_space<hbm>>
      tpu.enqueue_dma source(%dma_start3A_315 : memref<8xf32, #tpu.memory_space<hbm>>) target(%dma_start3A_312 : memref<8xf32, #tpu.memory_space<vmem>>) target_semaphore(%arg20 : memref<!tpu.dma_semaphore, #tpu.memory_space<semaphore_mem>>)
      %dma_start3A_316 = arith.constant 0 : i32
      %dma_start3A_317 = tpu.memref_slice %arg17[%add3A_291, %dma_start3A_316] : memref<128x32xf32, #tpu.memory_space<vmem>> -> memref<1x32xf32, #tpu.memory_space<vmem>>
      %dma_start3A_318 = tpu.memref_squeeze %dma_start3A_317 : memref<1x32xf32, #tpu.memory_space<vmem>> -> memref<32xf32, #tpu.memory_space<vmem>>
      %dma_start3A_319 = arith.constant 0 : i32
      %dma_start3A_320 = tpu.memref_slice %arg5[%squeeze3A_287, %dma_start3A_319] : memref<1000000x32xf32, #tpu.memory_space<hbm>> -> memref<1x32xf32, #tpu.memory_space<hbm>>
      %dma_start3A_321 = tpu.memref_squeeze %dma_start3A_320 : memref<1x32xf32, #tpu.memory_space<hbm>> -> memref<32xf32, #tpu.memory_space<hbm>>
      %dma_start3A_322 = arith.constant 0 : i32
      %dma_start3A_323 = tpu.memref_slice %arg17[%add3A_291, %dma_start3A_322] : memref<128x32xf32, #tpu.memory_space<vmem>> -> memref<1x32xf32, #tpu.memory_space<vmem>>
      %dma_start3A_324 = tpu.memref_squeeze %dma_start3A_323 : memref<1x32xf32, #tpu.memory_space<vmem>> -> memref<32xf32, #tpu.memory_space<vmem>>
      %dma_start3A_325 = arith.constant 0 : i32
      %dma_start3A_326 = tpu.memref_slice %arg5[%squeeze3A_287, %dma_start3A_325] : memref<1000000x32xf32, #tpu.memory_space<hbm>> -> memref<1x32xf32, #tpu.memory_space<hbm>>
      %dma_start3A_327 = tpu.memref_squeeze %dma_start3A_326 : memref<1x32xf32, #tpu.memory_space<hbm>> -> memref<32xf32, #tpu.memory_space<hbm>>
      tpu.enqueue_dma source(%dma_start3A_327 : memref<32xf32, #tpu.memory_space<hbm>>) target(%dma_start3A_324 : memref<32xf32, #tpu.memory_space<vmem>>) target_semaphore(%arg22 : memref<!tpu.dma_semaphore, #tpu.memory_space<semaphore_mem>>)
      %slice3A_328 = vector.extract_strided_slice %get3A_35 {offsets = [7], sizes = [1], strides = [1]} : vector<16xi32> to vector<1xi32>
      %squeeze3A_329 = vector.extract %slice3A_328[0] : i32 from vector<1xi32>
      %mul3A_330 = arith.constant 16 : i32
      %mul3A_331 = arith.muli %scan3A_31, %mul3A_330 : i32
      %add3A_332 = arith.constant 7 : i32
      %add3A_333 = arith.addi %mul3A_331, %add3A_332 : i32
      %dma_start3A_334 = arith.constant 0 : i32
      %dma_start3A_335 = tpu.memref_slice %arg14[%add3A_333, %dma_start3A_334] : memref<128x32xf32, #tpu.memory_space<vmem>> -> memref<1x32xf32, #tpu.memory_space<vmem>>
      %dma_start3A_336 = tpu.memref_squeeze %dma_start3A_335 : memref<1x32xf32, #tpu.memory_space<vmem>> -> memref<32xf32, #tpu.memory_space<vmem>>
      %dma_start3A_337 = arith.constant 0 : i32
      %dma_start3A_338 = tpu.memref_slice %arg2[%squeeze3A_329, %dma_start3A_337] : memref<1000000x32xf32, #tpu.memory_space<hbm>> -> memref<1x32xf32, #tpu.memory_space<hbm>>
      %dma_start3A_339 = tpu.memref_squeeze %dma_start3A_338 : memref<1x32xf32, #tpu.memory_space<hbm>> -> memref<32xf32, #tpu.memory_space<hbm>>
      %dma_start3A_340 = arith.constant 0 : i32
      %dma_start3A_341 = tpu.memref_slice %arg14[%add3A_333, %dma_start3A_340] : memref<128x32xf32, #tpu.memory_space<vmem>> -> memref<1x32xf32, #tpu.memory_space<vmem>>
      %dma_start3A_342 = tpu.memref_squeeze %dma_start3A_341 : memref<1x32xf32, #tpu.memory_space<vmem>> -> memref<32xf32, #tpu.memory_space<vmem>>
      %dma_start3A_343 = arith.constant 0 : i32
      %dma_start3A_344 = tpu.memref_slice %arg2[%squeeze3A_329, %dma_start3A_343] : memref<1000000x32xf32, #tpu.memory_space<hbm>> -> memref<1x32xf32, #tpu.memory_space<hbm>>
      %dma_start3A_345 = tpu.memref_squeeze %dma_start3A_344 : memref<1x32xf32, #tpu.memory_space<hbm>> -> memref<32xf32, #tpu.memory_space<hbm>>
      tpu.enqueue_dma source(%dma_start3A_345 : memref<32xf32, #tpu.memory_space<hbm>>) target(%dma_start3A_342 : memref<32xf32, #tpu.memory_space<vmem>>) target_semaphore(%arg19 : memref<!tpu.dma_semaphore, #tpu.memory_space<semaphore_mem>>)
      %dma_start3A_346 = arith.constant 0 : i32
      %dma_start3A_347 = tpu.memref_slice %arg15[%add3A_333, %dma_start3A_346] : memref<128x8xf32, #tpu.memory_space<vmem>> -> memref<1x8xf32, #tpu.memory_space<vmem>>
      %dma_start3A_348 = tpu.memref_squeeze %dma_start3A_347 : memref<1x8xf32, #tpu.memory_space<vmem>> -> memref<8xf32, #tpu.memory_space<vmem>>
      %dma_start3A_349 = arith.constant 0 : i32
      %dma_start3A_350 = tpu.memref_slice %arg3[%squeeze3A_329, %dma_start3A_349] : memref<1000000x8xf32, #tpu.memory_space<hbm>> -> memref<1x8xf32, #tpu.memory_space<hbm>>
      %dma_start3A_351 = tpu.memref_squeeze %dma_start3A_350 : memref<1x8xf32, #tpu.memory_space<hbm>> -> memref<8xf32, #tpu.memory_space<hbm>>
      %dma_start3A_352 = arith.constant 0 : i32
      %dma_start3A_353 = tpu.memref_slice %arg15[%add3A_333, %dma_start3A_352] : memref<128x8xf32, #tpu.memory_space<vmem>> -> memref<1x8xf32, #tpu.memory_space<vmem>>
      %dma_start3A_354 = tpu.memref_squeeze %dma_start3A_353 : memref<1x8xf32, #tpu.memory_space<vmem>> -> memref<8xf32, #tpu.memory_space<vmem>>
      %dma_start3A_355 = arith.constant 0 : i32
      %dma_start3A_356 = tpu.memref_slice %arg3[%squeeze3A_329, %dma_start3A_355] : memref<1000000x8xf32, #tpu.memory_space<hbm>> -> memref<1x8xf32, #tpu.memory_space<hbm>>
      %dma_start3A_357 = tpu.memref_squeeze %dma_start3A_356 : memref<1x8xf32, #tpu.memory_space<hbm>> -> memref<8xf32, #tpu.memory_space<hbm>>
      tpu.enqueue_dma source(%dma_start3A_357 : memref<8xf32, #tpu.memory_space<hbm>>) target(%dma_start3A_354 : memref<8xf32, #tpu.memory_space<vmem>>) target_semaphore(%arg20 : memref<!tpu.dma_semaphore, #tpu.memory_space<semaphore_mem>>)
      %dma_start3A_358 = arith.constant 0 : i32
      %dma_start3A_359 = tpu.memref_slice %arg17[%add3A_333, %dma_start3A_358] : memref<128x32xf32, #tpu.memory_space<vmem>> -> memref<1x32xf32, #tpu.memory_space<vmem>>
      %dma_start3A_360 = tpu.memref_squeeze %dma_start3A_359 : memref<1x32xf32, #tpu.memory_space<vmem>> -> memref<32xf32, #tpu.memory_space<vmem>>
      %dma_start3A_361 = arith.constant 0 : i32
      %dma_start3A_362 = tpu.memref_slice %arg5[%squeeze3A_329, %dma_start3A_361] : memref<1000000x32xf32, #tpu.memory_space<hbm>> -> memref<1x32xf32, #tpu.memory_space<hbm>>
      %dma_start3A_363 = tpu.memref_squeeze %dma_start3A_362 : memref<1x32xf32, #tpu.memory_space<hbm>> -> memref<32xf32, #tpu.memory_space<hbm>>
      %dma_start3A_364 = arith.constant 0 : i32
      %dma_start3A_365 = tpu.memref_slice %arg17[%add3A_333, %dma_start3A_364] : memref<128x32xf32, #tpu.memory_space<vmem>> -> memref<1x32xf32, #tpu.memory_space<vmem>>
      %dma_start3A_366 = tpu.memref_squeeze %dma_start3A_365 : memref<1x32xf32, #tpu.memory_space<vmem>> -> memref<32xf32, #tpu.memory_space<vmem>>
      %dma_start3A_367 = arith.constant 0 : i32
      %dma_start3A_368 = tpu.memref_slice %arg5[%squeeze3A_329, %dma_start3A_367] : memref<1000000x32xf32, #tpu.memory_space<hbm>> -> memref<1x32xf32, #tpu.memory_space<hbm>>
      %dma_start3A_369 = tpu.memref_squeeze %dma_start3A_368 : memref<1x32xf32, #tpu.memory_space<hbm>> -> memref<32xf32, #tpu.memory_space<hbm>>
      tpu.enqueue_dma source(%dma_start3A_369 : memref<32xf32, #tpu.memory_space<hbm>>) target(%dma_start3A_366 : memref<32xf32, #tpu.memory_space<vmem>>) target_semaphore(%arg22 : memref<!tpu.dma_semaphore, #tpu.memory_space<semaphore_mem>>)
      %slice3A_370 = vector.extract_strided_slice %get3A_35 {offsets = [8], sizes = [1], strides = [1]} : vector<16xi32> to vector<1xi32>
      %squeeze3A_371 = vector.extract %slice3A_370[0] : i32 from vector<1xi32>
      %mul3A_372 = arith.constant 16 : i32
      %mul3A_373 = arith.muli %scan3A_31, %mul3A_372 : i32
      %add3A_374 = arith.constant 8 : i32
      %add3A_375 = arith.addi %mul3A_373, %add3A_374 : i32
      %dma_start3A_376 = arith.constant 0 : i32
      %dma_start3A_377 = tpu.memref_slice %arg14[%add3A_375, %dma_start3A_376] : memref<128x32xf32, #tpu.memory_space<vmem>> -> memref<1x32xf32, #tpu.memory_space<vmem>>
      %dma_start3A_378 = tpu.memref_squeeze %dma_start3A_377 : memref<1x32xf32, #tpu.memory_space<vmem>> -> memref<32xf32, #tpu.memory_space<vmem>>
      %dma_start3A_379 = arith.constant 0 : i32
      %dma_start3A_380 = tpu.memref_slice %arg2[%squeeze3A_371, %dma_start3A_379] : memref<1000000x32xf32, #tpu.memory_space<hbm>> -> memref<1x32xf32, #tpu.memory_space<hbm>>
      %dma_start3A_381 = tpu.memref_squeeze %dma_start3A_380 : memref<1x32xf32, #tpu.memory_space<hbm>> -> memref<32xf32, #tpu.memory_space<hbm>>
      %dma_start3A_382 = arith.constant 0 : i32
      %dma_start3A_383 = tpu.memref_slice %arg14[%add3A_375, %dma_start3A_382] : memref<128x32xf32, #tpu.memory_space<vmem>> -> memref<1x32xf32, #tpu.memory_space<vmem>>
      %dma_start3A_384 = tpu.memref_squeeze %dma_start3A_383 : memref<1x32xf32, #tpu.memory_space<vmem>> -> memref<32xf32, #tpu.memory_space<vmem>>
      %dma_start3A_385 = arith.constant 0 : i32
      %dma_start3A_386 = tpu.memref_slice %arg2[%squeeze3A_371, %dma_start3A_385] : memref<1000000x32xf32, #tpu.memory_space<hbm>> -> memref<1x32xf32, #tpu.memory_space<hbm>>
      %dma_start3A_387 = tpu.memref_squeeze %dma_start3A_386 : memref<1x32xf32, #tpu.memory_space<hbm>> -> memref<32xf32, #tpu.memory_space<hbm>>
      tpu.enqueue_dma source(%dma_start3A_387 : memref<32xf32, #tpu.memory_space<hbm>>) target(%dma_start3A_384 : memref<32xf32, #tpu.memory_space<vmem>>) target_semaphore(%arg19 : memref<!tpu.dma_semaphore, #tpu.memory_space<semaphore_mem>>)
      %dma_start3A_388 = arith.constant 0 : i32
      %dma_start3A_389 = tpu.memref_slice %arg15[%add3A_375, %dma_start3A_388] : memref<128x8xf32, #tpu.memory_space<vmem>> -> memref<1x8xf32, #tpu.memory_space<vmem>>
      %dma_start3A_390 = tpu.memref_squeeze %dma_start3A_389 : memref<1x8xf32, #tpu.memory_space<vmem>> -> memref<8xf32, #tpu.memory_space<vmem>>
      %dma_start3A_391 = arith.constant 0 : i32
      %dma_start3A_392 = tpu.memref_slice %arg3[%squeeze3A_371, %dma_start3A_391] : memref<1000000x8xf32, #tpu.memory_space<hbm>> -> memref<1x8xf32, #tpu.memory_space<hbm>>
      %dma_start3A_393 = tpu.memref_squeeze %dma_start3A_392 : memref<1x8xf32, #tpu.memory_space<hbm>> -> memref<8xf32, #tpu.memory_space<hbm>>
      %dma_start3A_394 = arith.constant 0 : i32
      %dma_start3A_395 = tpu.memref_slice %arg15[%add3A_375, %dma_start3A_394] : memref<128x8xf32, #tpu.memory_space<vmem>> -> memref<1x8xf32, #tpu.memory_space<vmem>>
      %dma_start3A_396 = tpu.memref_squeeze %dma_start3A_395 : memref<1x8xf32, #tpu.memory_space<vmem>> -> memref<8xf32, #tpu.memory_space<vmem>>
      %dma_start3A_397 = arith.constant 0 : i32
      %dma_start3A_398 = tpu.memref_slice %arg3[%squeeze3A_371, %dma_start3A_397] : memref<1000000x8xf32, #tpu.memory_space<hbm>> -> memref<1x8xf32, #tpu.memory_space<hbm>>
      %dma_start3A_399 = tpu.memref_squeeze %dma_start3A_398 : memref<1x8xf32, #tpu.memory_space<hbm>> -> memref<8xf32, #tpu.memory_space<hbm>>
      tpu.enqueue_dma source(%dma_start3A_399 : memref<8xf32, #tpu.memory_space<hbm>>) target(%dma_start3A_396 : memref<8xf32, #tpu.memory_space<vmem>>) target_semaphore(%arg20 : memref<!tpu.dma_semaphore, #tpu.memory_space<semaphore_mem>>)
      %dma_start3A_400 = arith.constant 0 : i32
      %dma_start3A_401 = tpu.memref_slice %arg17[%add3A_375, %dma_start3A_400] : memref<128x32xf32, #tpu.memory_space<vmem>> -> memref<1x32xf32, #tpu.memory_space<vmem>>
      %dma_start3A_402 = tpu.memref_squeeze %dma_start3A_401 : memref<1x32xf32, #tpu.memory_space<vmem>> -> memref<32xf32, #tpu.memory_space<vmem>>
      %dma_start3A_403 = arith.constant 0 : i32
      %dma_start3A_404 = tpu.memref_slice %arg5[%squeeze3A_371, %dma_start3A_403] : memref<1000000x32xf32, #tpu.memory_space<hbm>> -> memref<1x32xf32, #tpu.memory_space<hbm>>
      %dma_start3A_405 = tpu.memref_squeeze %dma_start3A_404 : memref<1x32xf32, #tpu.memory_space<hbm>> -> memref<32xf32, #tpu.memory_space<hbm>>
      %dma_start3A_406 = arith.constant 0 : i32
      %dma_start3A_407 = tpu.memref_slice %arg17[%add3A_375, %dma_start3A_406] : memref<128x32xf32, #tpu.memory_space<vmem>> -> memref<1x32xf32, #tpu.memory_space<vmem>>
      %dma_start3A_408 = tpu.memref_squeeze %dma_start3A_407 : memref<1x32xf32, #tpu.memory_space<vmem>> -> memref<32xf32, #tpu.memory_space<vmem>>
      %dma_start3A_409 = arith.constant 0 : i32
      %dma_start3A_410 = tpu.memref_slice %arg5[%squeeze3A_371, %dma_start3A_409] : memref<1000000x32xf32, #tpu.memory_space<hbm>> -> memref<1x32xf32, #tpu.memory_space<hbm>>
      %dma_start3A_411 = tpu.memref_squeeze %dma_start3A_410 : memref<1x32xf32, #tpu.memory_space<hbm>> -> memref<32xf32, #tpu.memory_space<hbm>>
      tpu.enqueue_dma source(%dma_start3A_411 : memref<32xf32, #tpu.memory_space<hbm>>) target(%dma_start3A_408 : memref<32xf32, #tpu.memory_space<vmem>>) target_semaphore(%arg22 : memref<!tpu.dma_semaphore, #tpu.memory_space<semaphore_mem>>)
      %slice3A_412 = vector.extract_strided_slice %get3A_35 {offsets = [9], sizes = [1], strides = [1]} : vector<16xi32> to vector<1xi32>
      %squeeze3A_413 = vector.extract %slice3A_412[0] : i32 from vector<1xi32>
      %mul3A_414 = arith.constant 16 : i32
      %mul3A_415 = arith.muli %scan3A_31, %mul3A_414 : i32
      %add3A_416 = arith.constant 9 : i32
      %add3A_417 = arith.addi %mul3A_415, %add3A_416 : i32
      %dma_start3A_418 = arith.constant 0 : i32
      %dma_start3A_419 = tpu.memref_slice %arg14[%add3A_417, %dma_start3A_418] : memref<128x32xf32, #tpu.memory_space<vmem>> -> memref<1x32xf32, #tpu.memory_space<vmem>>
      %dma_start3A_420 = tpu.memref_squeeze %dma_start3A_419 : memref<1x32xf32, #tpu.memory_space<vmem>> -> memref<32xf32, #tpu.memory_space<vmem>>
      %dma_start3A_421 = arith.constant 0 : i32
      %dma_start3A_422 = tpu.memref_slice %arg2[%squeeze3A_413, %dma_start3A_421] : memref<1000000x32xf32, #tpu.memory_space<hbm>> -> memref<1x32xf32, #tpu.memory_space<hbm>>
      %dma_start3A_423 = tpu.memref_squeeze %dma_start3A_422 : memref<1x32xf32, #tpu.memory_space<hbm>> -> memref<32xf32, #tpu.memory_space<hbm>>
      %dma_start3A_424 = arith.constant 0 : i32
      %dma_start3A_425 = tpu.memref_slice %arg14[%add3A_417, %dma_start3A_424] : memref<128x32xf32, #tpu.memory_space<vmem>> -> memref<1x32xf32, #tpu.memory_space<vmem>>
      %dma_start3A_426 = tpu.memref_squeeze %dma_start3A_425 : memref<1x32xf32, #tpu.memory_space<vmem>> -> memref<32xf32, #tpu.memory_space<vmem>>
      %dma_start3A_427 = arith.constant 0 : i32
      %dma_start3A_428 = tpu.memref_slice %arg2[%squeeze3A_413, %dma_start3A_427] : memref<1000000x32xf32, #tpu.memory_space<hbm>> -> memref<1x32xf32, #tpu.memory_space<hbm>>
      %dma_start3A_429 = tpu.memref_squeeze %dma_start3A_428 : memref<1x32xf32, #tpu.memory_space<hbm>> -> memref<32xf32, #tpu.memory_space<hbm>>
      tpu.enqueue_dma source(%dma_start3A_429 : memref<32xf32, #tpu.memory_space<hbm>>) target(%dma_start3A_426 : memref<32xf32, #tpu.memory_space<vmem>>) target_semaphore(%arg19 : memref<!tpu.dma_semaphore, #tpu.memory_space<semaphore_mem>>)
      %dma_start3A_430 = arith.constant 0 : i32
      %dma_start3A_431 = tpu.memref_slice %arg15[%add3A_417, %dma_start3A_430] : memref<128x8xf32, #tpu.memory_space<vmem>> -> memref<1x8xf32, #tpu.memory_space<vmem>>
      %dma_start3A_432 = tpu.memref_squeeze %dma_start3A_431 : memref<1x8xf32, #tpu.memory_space<vmem>> -> memref<8xf32, #tpu.memory_space<vmem>>
      %dma_start3A_433 = arith.constant 0 : i32
      %dma_start3A_434 = tpu.memref_slice %arg3[%squeeze3A_413, %dma_start3A_433] : memref<1000000x8xf32, #tpu.memory_space<hbm>> -> memref<1x8xf32, #tpu.memory_space<hbm>>
      %dma_start3A_435 = tpu.memref_squeeze %dma_start3A_434 : memref<1x8xf32, #tpu.memory_space<hbm>> -> memref<8xf32, #tpu.memory_space<hbm>>
      %dma_start3A_436 = arith.constant 0 : i32
      %dma_start3A_437 = tpu.memref_slice %arg15[%add3A_417, %dma_start3A_436] : memref<128x8xf32, #tpu.memory_space<vmem>> -> memref<1x8xf32, #tpu.memory_space<vmem>>
      %dma_start3A_438 = tpu.memref_squeeze %dma_start3A_437 : memref<1x8xf32, #tpu.memory_space<vmem>> -> memref<8xf32, #tpu.memory_space<vmem>>
      %dma_start3A_439 = arith.constant 0 : i32
      %dma_start3A_440 = tpu.memref_slice %arg3[%squeeze3A_413, %dma_start3A_439] : memref<1000000x8xf32, #tpu.memory_space<hbm>> -> memref<1x8xf32, #tpu.memory_space<hbm>>
      %dma_start3A_441 = tpu.memref_squeeze %dma_start3A_440 : memref<1x8xf32, #tpu.memory_space<hbm>> -> memref<8xf32, #tpu.memory_space<hbm>>
      tpu.enqueue_dma source(%dma_start3A_441 : memref<8xf32, #tpu.memory_space<hbm>>) target(%dma_start3A_438 : memref<8xf32, #tpu.memory_space<vmem>>) target_semaphore(%arg20 : memref<!tpu.dma_semaphore, #tpu.memory_space<semaphore_mem>>)
      %dma_start3A_442 = arith.constant 0 : i32
      %dma_start3A_443 = tpu.memref_slice %arg17[%add3A_417, %dma_start3A_442] : memref<128x32xf32, #tpu.memory_space<vmem>> -> memref<1x32xf32, #tpu.memory_space<vmem>>
      %dma_start3A_444 = tpu.memref_squeeze %dma_start3A_443 : memref<1x32xf32, #tpu.memory_space<vmem>> -> memref<32xf32, #tpu.memory_space<vmem>>
      %dma_start3A_445 = arith.constant 0 : i32
      %dma_start3A_446 = tpu.memref_slice %arg5[%squeeze3A_413, %dma_start3A_445] : memref<1000000x32xf32, #tpu.memory_space<hbm>> -> memref<1x32xf32, #tpu.memory_space<hbm>>
      %dma_start3A_447 = tpu.memref_squeeze %dma_start3A_446 : memref<1x32xf32, #tpu.memory_space<hbm>> -> memref<32xf32, #tpu.memory_space<hbm>>
      %dma_start3A_448 = arith.constant 0 : i32
      %dma_start3A_449 = tpu.memref_slice %arg17[%add3A_417, %dma_start3A_448] : memref<128x32xf32, #tpu.memory_space<vmem>> -> memref<1x32xf32, #tpu.memory_space<vmem>>
      %dma_start3A_450 = tpu.memref_squeeze %dma_start3A_449 : memref<1x32xf32, #tpu.memory_space<vmem>> -> memref<32xf32, #tpu.memory_space<vmem>>
      %dma_start3A_451 = arith.constant 0 : i32
      %dma_start3A_452 = tpu.memref_slice %arg5[%squeeze3A_413, %dma_start3A_451] : memref<1000000x32xf32, #tpu.memory_space<hbm>> -> memref<1x32xf32, #tpu.memory_space<hbm>>
      %dma_start3A_453 = tpu.memref_squeeze %dma_start3A_452 : memref<1x32xf32, #tpu.memory_space<hbm>> -> memref<32xf32, #tpu.memory_space<hbm>>
      tpu.enqueue_dma source(%dma_start3A_453 : memref<32xf32, #tpu.memory_space<hbm>>) target(%dma_start3A_450 : memref<32xf32, #tpu.memory_space<vmem>>) target_semaphore(%arg22 : memref<!tpu.dma_semaphore, #tpu.memory_space<semaphore_mem>>)
      %slice3A_454 = vector.extract_strided_slice %get3A_35 {offsets = [10], sizes = [1], strides = [1]} : vector<16xi32> to vector<1xi32>
      %squeeze3A_455 = vector.extract %slice3A_454[0] : i32 from vector<1xi32>
      %mul3A_456 = arith.constant 16 : i32
      %mul3A_457 = arith.muli %scan3A_31, %mul3A_456 : i32
      %add3A_458 = arith.constant 10 : i32
      %add3A_459 = arith.addi %mul3A_457, %add3A_458 : i32
      %dma_start3A_460 = arith.constant 0 : i32
      %dma_start3A_461 = tpu.memref_slice %arg14[%add3A_459, %dma_start3A_460] : memref<128x32xf32, #tpu.memory_space<vmem>> -> memref<1x32xf32, #tpu.memory_space<vmem>>
      %dma_start3A_462 = tpu.memref_squeeze %dma_start3A_461 : memref<1x32xf32, #tpu.memory_space<vmem>> -> memref<32xf32, #tpu.memory_space<vmem>>
      %dma_start3A_463 = arith.constant 0 : i32
      %dma_start3A_464 = tpu.memref_slice %arg2[%squeeze3A_455, %dma_start3A_463] : memref<1000000x32xf32, #tpu.memory_space<hbm>> -> memref<1x32xf32, #tpu.memory_space<hbm>>
      %dma_start3A_465 = tpu.memref_squeeze %dma_start3A_464 : memref<1x32xf32, #tpu.memory_space<hbm>> -> memref<32xf32, #tpu.memory_space<hbm>>
      %dma_start3A_466 = arith.constant 0 : i32
      %dma_start3A_467 = tpu.memref_slice %arg14[%add3A_459, %dma_start3A_466] : memref<128x32xf32, #tpu.memory_space<vmem>> -> memref<1x32xf32, #tpu.memory_space<vmem>>
      %dma_start3A_468 = tpu.memref_squeeze %dma_start3A_467 : memref<1x32xf32, #tpu.memory_space<vmem>> -> memref<32xf32, #tpu.memory_space<vmem>>
      %dma_start3A_469 = arith.constant 0 : i32
      %dma_start3A_470 = tpu.memref_slice %arg2[%squeeze3A_455, %dma_start3A_469] : memref<1000000x32xf32, #tpu.memory_space<hbm>> -> memref<1x32xf32, #tpu.memory_space<hbm>>
      %dma_start3A_471 = tpu.memref_squeeze %dma_start3A_470 : memref<1x32xf32, #tpu.memory_space<hbm>> -> memref<32xf32, #tpu.memory_space<hbm>>
      tpu.enqueue_dma source(%dma_start3A_471 : memref<32xf32, #tpu.memory_space<hbm>>) target(%dma_start3A_468 : memref<32xf32, #tpu.memory_space<vmem>>) target_semaphore(%arg19 : memref<!tpu.dma_semaphore, #tpu.memory_space<semaphore_mem>>)
      %dma_start3A_472 = arith.constant 0 : i32
      %dma_start3A_473 = tpu.memref_slice %arg15[%add3A_459, %dma_start3A_472] : memref<128x8xf32, #tpu.memory_space<vmem>> -> memref<1x8xf32, #tpu.memory_space<vmem>>
      %dma_start3A_474 = tpu.memref_squeeze %dma_start3A_473 : memref<1x8xf32, #tpu.memory_space<vmem>> -> memref<8xf32, #tpu.memory_space<vmem>>
      %dma_start3A_475 = arith.constant 0 : i32
      %dma_start3A_476 = tpu.memref_slice %arg3[%squeeze3A_455, %dma_start3A_475] : memref<1000000x8xf32, #tpu.memory_space<hbm>> -> memref<1x8xf32, #tpu.memory_space<hbm>>
      %dma_start3A_477 = tpu.memref_squeeze %dma_start3A_476 : memref<1x8xf32, #tpu.memory_space<hbm>> -> memref<8xf32, #tpu.memory_space<hbm>>
      %dma_start3A_478 = arith.constant 0 : i32
      %dma_start3A_479 = tpu.memref_slice %arg15[%add3A_459, %dma_start3A_478] : memref<128x8xf32, #tpu.memory_space<vmem>> -> memref<1x8xf32, #tpu.memory_space<vmem>>
      %dma_start3A_480 = tpu.memref_squeeze %dma_start3A_479 : memref<1x8xf32, #tpu.memory_space<vmem>> -> memref<8xf32, #tpu.memory_space<vmem>>
      %dma_start3A_481 = arith.constant 0 : i32
      %dma_start3A_482 = tpu.memref_slice %arg3[%squeeze3A_455, %dma_start3A_481] : memref<1000000x8xf32, #tpu.memory_space<hbm>> -> memref<1x8xf32, #tpu.memory_space<hbm>>
      %dma_start3A_483 = tpu.memref_squeeze %dma_start3A_482 : memref<1x8xf32, #tpu.memory_space<hbm>> -> memref<8xf32, #tpu.memory_space<hbm>>
      tpu.enqueue_dma source(%dma_start3A_483 : memref<8xf32, #tpu.memory_space<hbm>>) target(%dma_start3A_480 : memref<8xf32, #tpu.memory_space<vmem>>) target_semaphore(%arg20 : memref<!tpu.dma_semaphore, #tpu.memory_space<semaphore_mem>>)
      %dma_start3A_484 = arith.constant 0 : i32
      %dma_start3A_485 = tpu.memref_slice %arg17[%add3A_459, %dma_start3A_484] : memref<128x32xf32, #tpu.memory_space<vmem>> -> memref<1x32xf32, #tpu.memory_space<vmem>>
      %dma_start3A_486 = tpu.memref_squeeze %dma_start3A_485 : memref<1x32xf32, #tpu.memory_space<vmem>> -> memref<32xf32, #tpu.memory_space<vmem>>
      %dma_start3A_487 = arith.constant 0 : i32
      %dma_start3A_488 = tpu.memref_slice %arg5[%squeeze3A_455, %dma_start3A_487] : memref<1000000x32xf32, #tpu.memory_space<hbm>> -> memref<1x32xf32, #tpu.memory_space<hbm>>
      %dma_start3A_489 = tpu.memref_squeeze %dma_start3A_488 : memref<1x32xf32, #tpu.memory_space<hbm>> -> memref<32xf32, #tpu.memory_space<hbm>>
      %dma_start3A_490 = arith.constant 0 : i32
      %dma_start3A_491 = tpu.memref_slice %arg17[%add3A_459, %dma_start3A_490] : memref<128x32xf32, #tpu.memory_space<vmem>> -> memref<1x32xf32, #tpu.memory_space<vmem>>
      %dma_start3A_492 = tpu.memref_squeeze %dma_start3A_491 : memref<1x32xf32, #tpu.memory_space<vmem>> -> memref<32xf32, #tpu.memory_space<vmem>>
      %dma_start3A_493 = arith.constant 0 : i32
      %dma_start3A_494 = tpu.memref_slice %arg5[%squeeze3A_455, %dma_start3A_493] : memref<1000000x32xf32, #tpu.memory_space<hbm>> -> memref<1x32xf32, #tpu.memory_space<hbm>>
      %dma_start3A_495 = tpu.memref_squeeze %dma_start3A_494 : memref<1x32xf32, #tpu.memory_space<hbm>> -> memref<32xf32, #tpu.memory_space<hbm>>
      tpu.enqueue_dma source(%dma_start3A_495 : memref<32xf32, #tpu.memory_space<hbm>>) target(%dma_start3A_492 : memref<32xf32, #tpu.memory_space<vmem>>) target_semaphore(%arg22 : memref<!tpu.dma_semaphore, #tpu.memory_space<semaphore_mem>>)
      %slice3A_496 = vector.extract_strided_slice %get3A_35 {offsets = [11], sizes = [1], strides = [1]} : vector<16xi32> to vector<1xi32>
      %squeeze3A_497 = vector.extract %slice3A_496[0] : i32 from vector<1xi32>
      %mul3A_498 = arith.constant 16 : i32
      %mul3A_499 = arith.muli %scan3A_31, %mul3A_498 : i32
      %add3A_500 = arith.constant 11 : i32
      %add3A_501 = arith.addi %mul3A_499, %add3A_500 : i32
      %dma_start3A_502 = arith.constant 0 : i32
      %dma_start3A_503 = tpu.memref_slice %arg14[%add3A_501, %dma_start3A_502] : memref<128x32xf32, #tpu.memory_space<vmem>> -> memref<1x32xf32, #tpu.memory_space<vmem>>
      %dma_start3A_504 = tpu.memref_squeeze %dma_start3A_503 : memref<1x32xf32, #tpu.memory_space<vmem>> -> memref<32xf32, #tpu.memory_space<vmem>>
      %dma_start3A_505 = arith.constant 0 : i32
      %dma_start3A_506 = tpu.memref_slice %arg2[%squeeze3A_497, %dma_start3A_505] : memref<1000000x32xf32, #tpu.memory_space<hbm>> -> memref<1x32xf32, #tpu.memory_space<hbm>>
      %dma_start3A_507 = tpu.memref_squeeze %dma_start3A_506 : memref<1x32xf32, #tpu.memory_space<hbm>> -> memref<32xf32, #tpu.memory_space<hbm>>
      %dma_start3A_508 = arith.constant 0 : i32
      %dma_start3A_509 = tpu.memref_slice %arg14[%add3A_501, %dma_start3A_508] : memref<128x32xf32, #tpu.memory_space<vmem>> -> memref<1x32xf32, #tpu.memory_space<vmem>>
      %dma_start3A_510 = tpu.memref_squeeze %dma_start3A_509 : memref<1x32xf32, #tpu.memory_space<vmem>> -> memref<32xf32, #tpu.memory_space<vmem>>
      %dma_start3A_511 = arith.constant 0 : i32
      %dma_start3A_512 = tpu.memref_slice %arg2[%squeeze3A_497, %dma_start3A_511] : memref<1000000x32xf32, #tpu.memory_space<hbm>> -> memref<1x32xf32, #tpu.memory_space<hbm>>
      %dma_start3A_513 = tpu.memref_squeeze %dma_start3A_512 : memref<1x32xf32, #tpu.memory_space<hbm>> -> memref<32xf32, #tpu.memory_space<hbm>>
      tpu.enqueue_dma source(%dma_start3A_513 : memref<32xf32, #tpu.memory_space<hbm>>) target(%dma_start3A_510 : memref<32xf32, #tpu.memory_space<vmem>>) target_semaphore(%arg19 : memref<!tpu.dma_semaphore, #tpu.memory_space<semaphore_mem>>)
      %dma_start3A_514 = arith.constant 0 : i32
      %dma_start3A_515 = tpu.memref_slice %arg15[%add3A_501, %dma_start3A_514] : memref<128x8xf32, #tpu.memory_space<vmem>> -> memref<1x8xf32, #tpu.memory_space<vmem>>
      %dma_start3A_516 = tpu.memref_squeeze %dma_start3A_515 : memref<1x8xf32, #tpu.memory_space<vmem>> -> memref<8xf32, #tpu.memory_space<vmem>>
      %dma_start3A_517 = arith.constant 0 : i32
      %dma_start3A_518 = tpu.memref_slice %arg3[%squeeze3A_497, %dma_start3A_517] : memref<1000000x8xf32, #tpu.memory_space<hbm>> -> memref<1x8xf32, #tpu.memory_space<hbm>>
      %dma_start3A_519 = tpu.memref_squeeze %dma_start3A_518 : memref<1x8xf32, #tpu.memory_space<hbm>> -> memref<8xf32, #tpu.memory_space<hbm>>
      %dma_start3A_520 = arith.constant 0 : i32
      %dma_start3A_521 = tpu.memref_slice %arg15[%add3A_501, %dma_start3A_520] : memref<128x8xf32, #tpu.memory_space<vmem>> -> memref<1x8xf32, #tpu.memory_space<vmem>>
      %dma_start3A_522 = tpu.memref_squeeze %dma_start3A_521 : memref<1x8xf32, #tpu.memory_space<vmem>> -> memref<8xf32, #tpu.memory_space<vmem>>
      %dma_start3A_523 = arith.constant 0 : i32
      %dma_start3A_524 = tpu.memref_slice %arg3[%squeeze3A_497, %dma_start3A_523] : memref<1000000x8xf32, #tpu.memory_space<hbm>> -> memref<1x8xf32, #tpu.memory_space<hbm>>
      %dma_start3A_525 = tpu.memref_squeeze %dma_start3A_524 : memref<1x8xf32, #tpu.memory_space<hbm>> -> memref<8xf32, #tpu.memory_space<hbm>>
      tpu.enqueue_dma source(%dma_start3A_525 : memref<8xf32, #tpu.memory_space<hbm>>) target(%dma_start3A_522 : memref<8xf32, #tpu.memory_space<vmem>>) target_semaphore(%arg20 : memref<!tpu.dma_semaphore, #tpu.memory_space<semaphore_mem>>)
      %dma_start3A_526 = arith.constant 0 : i32
      %dma_start3A_527 = tpu.memref_slice %arg17[%add3A_501, %dma_start3A_526] : memref<128x32xf32, #tpu.memory_space<vmem>> -> memref<1x32xf32, #tpu.memory_space<vmem>>
      %dma_start3A_528 = tpu.memref_squeeze %dma_start3A_527 : memref<1x32xf32, #tpu.memory_space<vmem>> -> memref<32xf32, #tpu.memory_space<vmem>>
      %dma_start3A_529 = arith.constant 0 : i32
      %dma_start3A_530 = tpu.memref_slice %arg5[%squeeze3A_497, %dma_start3A_529] : memref<1000000x32xf32, #tpu.memory_space<hbm>> -> memref<1x32xf32, #tpu.memory_space<hbm>>
      %dma_start3A_531 = tpu.memref_squeeze %dma_start3A_530 : memref<1x32xf32, #tpu.memory_space<hbm>> -> memref<32xf32, #tpu.memory_space<hbm>>
      %dma_start3A_532 = arith.constant 0 : i32
      %dma_start3A_533 = tpu.memref_slice %arg17[%add3A_501, %dma_start3A_532] : memref<128x32xf32, #tpu.memory_space<vmem>> -> memref<1x32xf32, #tpu.memory_space<vmem>>
      %dma_start3A_534 = tpu.memref_squeeze %dma_start3A_533 : memref<1x32xf32, #tpu.memory_space<vmem>> -> memref<32xf32, #tpu.memory_space<vmem>>
      %dma_start3A_535 = arith.constant 0 : i32
      %dma_start3A_536 = tpu.memref_slice %arg5[%squeeze3A_497, %dma_start3A_535] : memref<1000000x32xf32, #tpu.memory_space<hbm>> -> memref<1x32xf32, #tpu.memory_space<hbm>>
      %dma_start3A_537 = tpu.memref_squeeze %dma_start3A_536 : memref<1x32xf32, #tpu.memory_space<hbm>> -> memref<32xf32, #tpu.memory_space<hbm>>
      tpu.enqueue_dma source(%dma_start3A_537 : memref<32xf32, #tpu.memory_space<hbm>>) target(%dma_start3A_534 : memref<32xf32, #tpu.memory_space<vmem>>) target_semaphore(%arg22 : memref<!tpu.dma_semaphore, #tpu.memory_space<semaphore_mem>>)
      %slice3A_538 = vector.extract_strided_slice %get3A_35 {offsets = [12], sizes = [1], strides = [1]} : vector<16xi32> to vector<1xi32>
      %squeeze3A_539 = vector.extract %slice3A_538[0] : i32 from vector<1xi32>
      %mul3A_540 = arith.constant 16 : i32
      %mul3A_541 = arith.muli %scan3A_31, %mul3A_540 : i32
      %add3A_542 = arith.constant 12 : i32
      %add3A_543 = arith.addi %mul3A_541, %add3A_542 : i32
      %dma_start3A_544 = arith.constant 0 : i32
      %dma_start3A_545 = tpu.memref_slice %arg14[%add3A_543, %dma_start3A_544] : memref<128x32xf32, #tpu.memory_space<vmem>> -> memref<1x32xf32, #tpu.memory_space<vmem>>
      %dma_start3A_546 = tpu.memref_squeeze %dma_start3A_545 : memref<1x32xf32, #tpu.memory_space<vmem>> -> memref<32xf32, #tpu.memory_space<vmem>>
      %dma_start3A_547 = arith.constant 0 : i32
      %dma_start3A_548 = tpu.memref_slice %arg2[%squeeze3A_539, %dma_start3A_547] : memref<1000000x32xf32, #tpu.memory_space<hbm>> -> memref<1x32xf32, #tpu.memory_space<hbm>>
      %dma_start3A_549 = tpu.memref_squeeze %dma_start3A_548 : memref<1x32xf32, #tpu.memory_space<hbm>> -> memref<32xf32, #tpu.memory_space<hbm>>
      %dma_start3A_550 = arith.constant 0 : i32
      %dma_start3A_551 = tpu.memref_slice %arg14[%add3A_543, %dma_start3A_550] : memref<128x32xf32, #tpu.memory_space<vmem>> -> memref<1x32xf32, #tpu.memory_space<vmem>>
      %dma_start3A_552 = tpu.memref_squeeze %dma_start3A_551 : memref<1x32xf32, #tpu.memory_space<vmem>> -> memref<32xf32, #tpu.memory_space<vmem>>
      %dma_start3A_553 = arith.constant 0 : i32
      %dma_start3A_554 = tpu.memref_slice %arg2[%squeeze3A_539, %dma_start3A_553] : memref<1000000x32xf32, #tpu.memory_space<hbm>> -> memref<1x32xf32, #tpu.memory_space<hbm>>
      %dma_start3A_555 = tpu.memref_squeeze %dma_start3A_554 : memref<1x32xf32, #tpu.memory_space<hbm>> -> memref<32xf32, #tpu.memory_space<hbm>>
      tpu.enqueue_dma source(%dma_start3A_555 : memref<32xf32, #tpu.memory_space<hbm>>) target(%dma_start3A_552 : memref<32xf32, #tpu.memory_space<vmem>>) target_semaphore(%arg19 : memref<!tpu.dma_semaphore, #tpu.memory_space<semaphore_mem>>)
      %dma_start3A_556 = arith.constant 0 : i32
      %dma_start3A_557 = tpu.memref_slice %arg15[%add3A_543, %dma_start3A_556] : memref<128x8xf32, #tpu.memory_space<vmem>> -> memref<1x8xf32, #tpu.memory_space<vmem>>
      %dma_start3A_558 = tpu.memref_squeeze %dma_start3A_557 : memref<1x8xf32, #tpu.memory_space<vmem>> -> memref<8xf32, #tpu.memory_space<vmem>>
      %dma_start3A_559 = arith.constant 0 : i32
      %dma_start3A_560 = tpu.memref_slice %arg3[%squeeze3A_539, %dma_start3A_559] : memref<1000000x8xf32, #tpu.memory_space<hbm>> -> memref<1x8xf32, #tpu.memory_space<hbm>>
      %dma_start3A_561 = tpu.memref_squeeze %dma_start3A_560 : memref<1x8xf32, #tpu.memory_space<hbm>> -> memref<8xf32, #tpu.memory_space<hbm>>
      %dma_start3A_562 = arith.constant 0 : i32
      %dma_start3A_563 = tpu.memref_slice %arg15[%add3A_543, %dma_start3A_562] : memref<128x8xf32, #tpu.memory_space<vmem>> -> memref<1x8xf32, #tpu.memory_space<vmem>>
      %dma_start3A_564 = tpu.memref_squeeze %dma_start3A_563 : memref<1x8xf32, #tpu.memory_space<vmem>> -> memref<8xf32, #tpu.memory_space<vmem>>
      %dma_start3A_565 = arith.constant 0 : i32
      %dma_start3A_566 = tpu.memref_slice %arg3[%squeeze3A_539, %dma_start3A_565] : memref<1000000x8xf32, #tpu.memory_space<hbm>> -> memref<1x8xf32, #tpu.memory_space<hbm>>
      %dma_start3A_567 = tpu.memref_squeeze %dma_start3A_566 : memref<1x8xf32, #tpu.memory_space<hbm>> -> memref<8xf32, #tpu.memory_space<hbm>>
      tpu.enqueue_dma source(%dma_start3A_567 : memref<8xf32, #tpu.memory_space<hbm>>) target(%dma_start3A_564 : memref<8xf32, #tpu.memory_space<vmem>>) target_semaphore(%arg20 : memref<!tpu.dma_semaphore, #tpu.memory_space<semaphore_mem>>)
      %dma_start3A_568 = arith.constant 0 : i32
      %dma_start3A_569 = tpu.memref_slice %arg17[%add3A_543, %dma_start3A_568] : memref<128x32xf32, #tpu.memory_space<vmem>> -> memref<1x32xf32, #tpu.memory_space<vmem>>
      %dma_start3A_570 = tpu.memref_squeeze %dma_start3A_569 : memref<1x32xf32, #tpu.memory_space<vmem>> -> memref<32xf32, #tpu.memory_space<vmem>>
      %dma_start3A_571 = arith.constant 0 : i32
      %dma_start3A_572 = tpu.memref_slice %arg5[%squeeze3A_539, %dma_start3A_571] : memref<1000000x32xf32, #tpu.memory_space<hbm>> -> memref<1x32xf32, #tpu.memory_space<hbm>>
      %dma_start3A_573 = tpu.memref_squeeze %dma_start3A_572 : memref<1x32xf32, #tpu.memory_space<hbm>> -> memref<32xf32, #tpu.memory_space<hbm>>
      %dma_start3A_574 = arith.constant 0 : i32
      %dma_start3A_575 = tpu.memref_slice %arg17[%add3A_543, %dma_start3A_574] : memref<128x32xf32, #tpu.memory_space<vmem>> -> memref<1x32xf32, #tpu.memory_space<vmem>>
      %dma_start3A_576 = tpu.memref_squeeze %dma_start3A_575 : memref<1x32xf32, #tpu.memory_space<vmem>> -> memref<32xf32, #tpu.memory_space<vmem>>
      %dma_start3A_577 = arith.constant 0 : i32
      %dma_start3A_578 = tpu.memref_slice %arg5[%squeeze3A_539, %dma_start3A_577] : memref<1000000x32xf32, #tpu.memory_space<hbm>> -> memref<1x32xf32, #tpu.memory_space<hbm>>
      %dma_start3A_579 = tpu.memref_squeeze %dma_start3A_578 : memref<1x32xf32, #tpu.memory_space<hbm>> -> memref<32xf32, #tpu.memory_space<hbm>>
      tpu.enqueue_dma source(%dma_start3A_579 : memref<32xf32, #tpu.memory_space<hbm>>) target(%dma_start3A_576 : memref<32xf32, #tpu.memory_space<vmem>>) target_semaphore(%arg22 : memref<!tpu.dma_semaphore, #tpu.memory_space<semaphore_mem>>)
      %slice3A_580 = vector.extract_strided_slice %get3A_35 {offsets = [13], sizes = [1], strides = [1]} : vector<16xi32> to vector<1xi32>
      %squeeze3A_581 = vector.extract %slice3A_580[0] : i32 from vector<1xi32>
      %mul3A_582 = arith.constant 16 : i32
      %mul3A_583 = arith.muli %scan3A_31, %mul3A_582 : i32
      %add3A_584 = arith.constant 13 : i32
      %add3A_585 = arith.addi %mul3A_583, %add3A_584 : i32
      %dma_start3A_586 = arith.constant 0 : i32
      %dma_start3A_587 = tpu.memref_slice %arg14[%add3A_585, %dma_start3A_586] : memref<128x32xf32, #tpu.memory_space<vmem>> -> memref<1x32xf32, #tpu.memory_space<vmem>>
      %dma_start3A_588 = tpu.memref_squeeze %dma_start3A_587 : memref<1x32xf32, #tpu.memory_space<vmem>> -> memref<32xf32, #tpu.memory_space<vmem>>
      %dma_start3A_589 = arith.constant 0 : i32
      %dma_start3A_590 = tpu.memref_slice %arg2[%squeeze3A_581, %dma_start3A_589] : memref<1000000x32xf32, #tpu.memory_space<hbm>> -> memref<1x32xf32, #tpu.memory_space<hbm>>
      %dma_start3A_591 = tpu.memref_squeeze %dma_start3A_590 : memref<1x32xf32, #tpu.memory_space<hbm>> -> memref<32xf32, #tpu.memory_space<hbm>>
      %dma_start3A_592 = arith.constant 0 : i32
      %dma_start3A_593 = tpu.memref_slice %arg14[%add3A_585, %dma_start3A_592] : memref<128x32xf32, #tpu.memory_space<vmem>> -> memref<1x32xf32, #tpu.memory_space<vmem>>
      %dma_start3A_594 = tpu.memref_squeeze %dma_start3A_593 : memref<1x32xf32, #tpu.memory_space<vmem>> -> memref<32xf32, #tpu.memory_space<vmem>>
      %dma_start3A_595 = arith.constant 0 : i32
      %dma_start3A_596 = tpu.memref_slice %arg2[%squeeze3A_581, %dma_start3A_595] : memref<1000000x32xf32, #tpu.memory_space<hbm>> -> memref<1x32xf32, #tpu.memory_space<hbm>>
      %dma_start3A_597 = tpu.memref_squeeze %dma_start3A_596 : memref<1x32xf32, #tpu.memory_space<hbm>> -> memref<32xf32, #tpu.memory_space<hbm>>
      tpu.enqueue_dma source(%dma_start3A_597 : memref<32xf32, #tpu.memory_space<hbm>>) target(%dma_start3A_594 : memref<32xf32, #tpu.memory_space<vmem>>) target_semaphore(%arg19 : memref<!tpu.dma_semaphore, #tpu.memory_space<semaphore_mem>>)
      %dma_start3A_598 = arith.constant 0 : i32
      %dma_start3A_599 = tpu.memref_slice %arg15[%add3A_585, %dma_start3A_598] : memref<128x8xf32, #tpu.memory_space<vmem>> -> memref<1x8xf32, #tpu.memory_space<vmem>>
      %dma_start3A_600 = tpu.memref_squeeze %dma_start3A_599 : memref<1x8xf32, #tpu.memory_space<vmem>> -> memref<8xf32, #tpu.memory_space<vmem>>
      %dma_start3A_601 = arith.constant 0 : i32
      %dma_start3A_602 = tpu.memref_slice %arg3[%squeeze3A_581, %dma_start3A_601] : memref<1000000x8xf32, #tpu.memory_space<hbm>> -> memref<1x8xf32, #tpu.memory_space<hbm>>
      %dma_start3A_603 = tpu.memref_squeeze %dma_start3A_602 : memref<1x8xf32, #tpu.memory_space<hbm>> -> memref<8xf32, #tpu.memory_space<hbm>>
      %dma_start3A_604 = arith.constant 0 : i32
      %dma_start3A_605 = tpu.memref_slice %arg15[%add3A_585, %dma_start3A_604] : memref<128x8xf32, #tpu.memory_space<vmem>> -> memref<1x8xf32, #tpu.memory_space<vmem>>
      %dma_start3A_606 = tpu.memref_squeeze %dma_start3A_605 : memref<1x8xf32, #tpu.memory_space<vmem>> -> memref<8xf32, #tpu.memory_space<vmem>>
      %dma_start3A_607 = arith.constant 0 : i32
      %dma_start3A_608 = tpu.memref_slice %arg3[%squeeze3A_581, %dma_start3A_607] : memref<1000000x8xf32, #tpu.memory_space<hbm>> -> memref<1x8xf32, #tpu.memory_space<hbm>>
      %dma_start3A_609 = tpu.memref_squeeze %dma_start3A_608 : memref<1x8xf32, #tpu.memory_space<hbm>> -> memref<8xf32, #tpu.memory_space<hbm>>
      tpu.enqueue_dma source(%dma_start3A_609 : memref<8xf32, #tpu.memory_space<hbm>>) target(%dma_start3A_606 : memref<8xf32, #tpu.memory_space<vmem>>) target_semaphore(%arg20 : memref<!tpu.dma_semaphore, #tpu.memory_space<semaphore_mem>>)
      %dma_start3A_610 = arith.constant 0 : i32
      %dma_start3A_611 = tpu.memref_slice %arg17[%add3A_585, %dma_start3A_610] : memref<128x32xf32, #tpu.memory_space<vmem>> -> memref<1x32xf32, #tpu.memory_space<vmem>>
      %dma_start3A_612 = tpu.memref_squeeze %dma_start3A_611 : memref<1x32xf32, #tpu.memory_space<vmem>> -> memref<32xf32, #tpu.memory_space<vmem>>
      %dma_start3A_613 = arith.constant 0 : i32
      %dma_start3A_614 = tpu.memref_slice %arg5[%squeeze3A_581, %dma_start3A_613] : memref<1000000x32xf32, #tpu.memory_space<hbm>> -> memref<1x32xf32, #tpu.memory_space<hbm>>
      %dma_start3A_615 = tpu.memref_squeeze %dma_start3A_614 : memref<1x32xf32, #tpu.memory_space<hbm>> -> memref<32xf32, #tpu.memory_space<hbm>>
      %dma_start3A_616 = arith.constant 0 : i32
      %dma_start3A_617 = tpu.memref_slice %arg17[%add3A_585, %dma_start3A_616] : memref<128x32xf32, #tpu.memory_space<vmem>> -> memref<1x32xf32, #tpu.memory_space<vmem>>
      %dma_start3A_618 = tpu.memref_squeeze %dma_start3A_617 : memref<1x32xf32, #tpu.memory_space<vmem>> -> memref<32xf32, #tpu.memory_space<vmem>>
      %dma_start3A_619 = arith.constant 0 : i32
      %dma_start3A_620 = tpu.memref_slice %arg5[%squeeze3A_581, %dma_start3A_619] : memref<1000000x32xf32, #tpu.memory_space<hbm>> -> memref<1x32xf32, #tpu.memory_space<hbm>>
      %dma_start3A_621 = tpu.memref_squeeze %dma_start3A_620 : memref<1x32xf32, #tpu.memory_space<hbm>> -> memref<32xf32, #tpu.memory_space<hbm>>
      tpu.enqueue_dma source(%dma_start3A_621 : memref<32xf32, #tpu.memory_space<hbm>>) target(%dma_start3A_618 : memref<32xf32, #tpu.memory_space<vmem>>) target_semaphore(%arg22 : memref<!tpu.dma_semaphore, #tpu.memory_space<semaphore_mem>>)
      %slice3A_622 = vector.extract_strided_slice %get3A_35 {offsets = [14], sizes = [1], strides = [1]} : vector<16xi32> to vector<1xi32>
      %squeeze3A_623 = vector.extract %slice3A_622[0] : i32 from vector<1xi32>
      %mul3A_624 = arith.constant 16 : i32
      %mul3A_625 = arith.muli %scan3A_31, %mul3A_624 : i32
      %add3A_626 = arith.constant 14 : i32
      %add3A_627 = arith.addi %mul3A_625, %add3A_626 : i32
      %dma_start3A_628 = arith.constant 0 : i32
      %dma_start3A_629 = tpu.memref_slice %arg14[%add3A_627, %dma_start3A_628] : memref<128x32xf32, #tpu.memory_space<vmem>> -> memref<1x32xf32, #tpu.memory_space<vmem>>
      %dma_start3A_630 = tpu.memref_squeeze %dma_start3A_629 : memref<1x32xf32, #tpu.memory_space<vmem>> -> memref<32xf32, #tpu.memory_space<vmem>>
      %dma_start3A_631 = arith.constant 0 : i32
      %dma_start3A_632 = tpu.memref_slice %arg2[%squeeze3A_623, %dma_start3A_631] : memref<1000000x32xf32, #tpu.memory_space<hbm>> -> memref<1x32xf32, #tpu.memory_space<hbm>>
      %dma_start3A_633 = tpu.memref_squeeze %dma_start3A_632 : memref<1x32xf32, #tpu.memory_space<hbm>> -> memref<32xf32, #tpu.memory_space<hbm>>
      %dma_start3A_634 = arith.constant 0 : i32
      %dma_start3A_635 = tpu.memref_slice %arg14[%add3A_627, %dma_start3A_634] : memref<128x32xf32, #tpu.memory_space<vmem>> -> memref<1x32xf32, #tpu.memory_space<vmem>>
      %dma_start3A_636 = tpu.memref_squeeze %dma_start3A_635 : memref<1x32xf32, #tpu.memory_space<vmem>> -> memref<32xf32, #tpu.memory_space<vmem>>
      %dma_start3A_637 = arith.constant 0 : i32
      %dma_start3A_638 = tpu.memref_slice %arg2[%squeeze3A_623, %dma_start3A_637] : memref<1000000x32xf32, #tpu.memory_space<hbm>> -> memref<1x32xf32, #tpu.memory_space<hbm>>
      %dma_start3A_639 = tpu.memref_squeeze %dma_start3A_638 : memref<1x32xf32, #tpu.memory_space<hbm>> -> memref<32xf32, #tpu.memory_space<hbm>>
      tpu.enqueue_dma source(%dma_start3A_639 : memref<32xf32, #tpu.memory_space<hbm>>) target(%dma_start3A_636 : memref<32xf32, #tpu.memory_space<vmem>>) target_semaphore(%arg19 : memref<!tpu.dma_semaphore, #tpu.memory_space<semaphore_mem>>)
      %dma_start3A_640 = arith.constant 0 : i32
      %dma_start3A_641 = tpu.memref_slice %arg15[%add3A_627, %dma_start3A_640] : memref<128x8xf32, #tpu.memory_space<vmem>> -> memref<1x8xf32, #tpu.memory_space<vmem>>
      %dma_start3A_642 = tpu.memref_squeeze %dma_start3A_641 : memref<1x8xf32, #tpu.memory_space<vmem>> -> memref<8xf32, #tpu.memory_space<vmem>>
      %dma_start3A_643 = arith.constant 0 : i32
      %dma_start3A_644 = tpu.memref_slice %arg3[%squeeze3A_623, %dma_start3A_643] : memref<1000000x8xf32, #tpu.memory_space<hbm>> -> memref<1x8xf32, #tpu.memory_space<hbm>>
      %dma_start3A_645 = tpu.memref_squeeze %dma_start3A_644 : memref<1x8xf32, #tpu.memory_space<hbm>> -> memref<8xf32, #tpu.memory_space<hbm>>
      %dma_start3A_646 = arith.constant 0 : i32
      %dma_start3A_647 = tpu.memref_slice %arg15[%add3A_627, %dma_start3A_646] : memref<128x8xf32, #tpu.memory_space<vmem>> -> memref<1x8xf32, #tpu.memory_space<vmem>>
      %dma_start3A_648 = tpu.memref_squeeze %dma_start3A_647 : memref<1x8xf32, #tpu.memory_space<vmem>> -> memref<8xf32, #tpu.memory_space<vmem>>
      %dma_start3A_649 = arith.constant 0 : i32
      %dma_start3A_650 = tpu.memref_slice %arg3[%squeeze3A_623, %dma_start3A_649] : memref<1000000x8xf32, #tpu.memory_space<hbm>> -> memref<1x8xf32, #tpu.memory_space<hbm>>
      %dma_start3A_651 = tpu.memref_squeeze %dma_start3A_650 : memref<1x8xf32, #tpu.memory_space<hbm>> -> memref<8xf32, #tpu.memory_space<hbm>>
      tpu.enqueue_dma source(%dma_start3A_651 : memref<8xf32, #tpu.memory_space<hbm>>) target(%dma_start3A_648 : memref<8xf32, #tpu.memory_space<vmem>>) target_semaphore(%arg20 : memref<!tpu.dma_semaphore, #tpu.memory_space<semaphore_mem>>)
      %dma_start3A_652 = arith.constant 0 : i32
      %dma_start3A_653 = tpu.memref_slice %arg17[%add3A_627, %dma_start3A_652] : memref<128x32xf32, #tpu.memory_space<vmem>> -> memref<1x32xf32, #tpu.memory_space<vmem>>
      %dma_start3A_654 = tpu.memref_squeeze %dma_start3A_653 : memref<1x32xf32, #tpu.memory_space<vmem>> -> memref<32xf32, #tpu.memory_space<vmem>>
      %dma_start3A_655 = arith.constant 0 : i32
      %dma_start3A_656 = tpu.memref_slice %arg5[%squeeze3A_623, %dma_start3A_655] : memref<1000000x32xf32, #tpu.memory_space<hbm>> -> memref<1x32xf32, #tpu.memory_space<hbm>>
      %dma_start3A_657 = tpu.memref_squeeze %dma_start3A_656 : memref<1x32xf32, #tpu.memory_space<hbm>> -> memref<32xf32, #tpu.memory_space<hbm>>
      %dma_start3A_658 = arith.constant 0 : i32
      %dma_start3A_659 = tpu.memref_slice %arg17[%add3A_627, %dma_start3A_658] : memref<128x32xf32, #tpu.memory_space<vmem>> -> memref<1x32xf32, #tpu.memory_space<vmem>>
      %dma_start3A_660 = tpu.memref_squeeze %dma_start3A_659 : memref<1x32xf32, #tpu.memory_space<vmem>> -> memref<32xf32, #tpu.memory_space<vmem>>
      %dma_start3A_661 = arith.constant 0 : i32
      %dma_start3A_662 = tpu.memref_slice %arg5[%squeeze3A_623, %dma_start3A_661] : memref<1000000x32xf32, #tpu.memory_space<hbm>> -> memref<1x32xf32, #tpu.memory_space<hbm>>
      %dma_start3A_663 = tpu.memref_squeeze %dma_start3A_662 : memref<1x32xf32, #tpu.memory_space<hbm>> -> memref<32xf32, #tpu.memory_space<hbm>>
      tpu.enqueue_dma source(%dma_start3A_663 : memref<32xf32, #tpu.memory_space<hbm>>) target(%dma_start3A_660 : memref<32xf32, #tpu.memory_space<vmem>>) target_semaphore(%arg22 : memref<!tpu.dma_semaphore, #tpu.memory_space<semaphore_mem>>)
      %slice3A_664 = vector.extract_strided_slice %get3A_35 {offsets = [15], sizes = [1], strides = [1]} : vector<16xi32> to vector<1xi32>
      %squeeze3A_665 = vector.extract %slice3A_664[0] : i32 from vector<1xi32>
      %mul3A_666 = arith.constant 16 : i32
      %mul3A_667 = arith.muli %scan3A_31, %mul3A_666 : i32
      %add3A_668 = arith.constant 15 : i32
      %add3A_669 = arith.addi %mul3A_667, %add3A_668 : i32
      %dma_start3A_670 = arith.constant 0 : i32
      %dma_start3A_671 = tpu.memref_slice %arg14[%add3A_669, %dma_start3A_670] : memref<128x32xf32, #tpu.memory_space<vmem>> -> memref<1x32xf32, #tpu.memory_space<vmem>>
      %dma_start3A_672 = tpu.memref_squeeze %dma_start3A_671 : memref<1x32xf32, #tpu.memory_space<vmem>> -> memref<32xf32, #tpu.memory_space<vmem>>
      %dma_start3A_673 = arith.constant 0 : i32
      %dma_start3A_674 = tpu.memref_slice %arg2[%squeeze3A_665, %dma_start3A_673] : memref<1000000x32xf32, #tpu.memory_space<hbm>> -> memref<1x32xf32, #tpu.memory_space<hbm>>
      %dma_start3A_675 = tpu.memref_squeeze %dma_start3A_674 : memref<1x32xf32, #tpu.memory_space<hbm>> -> memref<32xf32, #tpu.memory_space<hbm>>
      %dma_start3A_676 = arith.constant 0 : i32
      %dma_start3A_677 = tpu.memref_slice %arg14[%add3A_669, %dma_start3A_676] : memref<128x32xf32, #tpu.memory_space<vmem>> -> memref<1x32xf32, #tpu.memory_space<vmem>>
      %dma_start3A_678 = tpu.memref_squeeze %dma_start3A_677 : memref<1x32xf32, #tpu.memory_space<vmem>> -> memref<32xf32, #tpu.memory_space<vmem>>
      %dma_start3A_679 = arith.constant 0 : i32
      %dma_start3A_680 = tpu.memref_slice %arg2[%squeeze3A_665, %dma_start3A_679] : memref<1000000x32xf32, #tpu.memory_space<hbm>> -> memref<1x32xf32, #tpu.memory_space<hbm>>
      %dma_start3A_681 = tpu.memref_squeeze %dma_start3A_680 : memref<1x32xf32, #tpu.memory_space<hbm>> -> memref<32xf32, #tpu.memory_space<hbm>>
      tpu.enqueue_dma source(%dma_start3A_681 : memref<32xf32, #tpu.memory_space<hbm>>) target(%dma_start3A_678 : memref<32xf32, #tpu.memory_space<vmem>>) target_semaphore(%arg19 : memref<!tpu.dma_semaphore, #tpu.memory_space<semaphore_mem>>)
      %dma_start3A_682 = arith.constant 0 : i32
      %dma_start3A_683 = tpu.memref_slice %arg15[%add3A_669, %dma_start3A_682] : memref<128x8xf32, #tpu.memory_space<vmem>> -> memref<1x8xf32, #tpu.memory_space<vmem>>
      %dma_start3A_684 = tpu.memref_squeeze %dma_start3A_683 : memref<1x8xf32, #tpu.memory_space<vmem>> -> memref<8xf32, #tpu.memory_space<vmem>>
      %dma_start3A_685 = arith.constant 0 : i32
      %dma_start3A_686 = tpu.memref_slice %arg3[%squeeze3A_665, %dma_start3A_685] : memref<1000000x8xf32, #tpu.memory_space<hbm>> -> memref<1x8xf32, #tpu.memory_space<hbm>>
      %dma_start3A_687 = tpu.memref_squeeze %dma_start3A_686 : memref<1x8xf32, #tpu.memory_space<hbm>> -> memref<8xf32, #tpu.memory_space<hbm>>
      %dma_start3A_688 = arith.constant 0 : i32
      %dma_start3A_689 = tpu.memref_slice %arg15[%add3A_669, %dma_start3A_688] : memref<128x8xf32, #tpu.memory_space<vmem>> -> memref<1x8xf32, #tpu.memory_space<vmem>>
      %dma_start3A_690 = tpu.memref_squeeze %dma_start3A_689 : memref<1x8xf32, #tpu.memory_space<vmem>> -> memref<8xf32, #tpu.memory_space<vmem>>
      %dma_start3A_691 = arith.constant 0 : i32
      %dma_start3A_692 = tpu.memref_slice %arg3[%squeeze3A_665, %dma_start3A_691] : memref<1000000x8xf32, #tpu.memory_space<hbm>> -> memref<1x8xf32, #tpu.memory_space<hbm>>
      %dma_start3A_693 = tpu.memref_squeeze %dma_start3A_692 : memref<1x8xf32, #tpu.memory_space<hbm>> -> memref<8xf32, #tpu.memory_space<hbm>>
      tpu.enqueue_dma source(%dma_start3A_693 : memref<8xf32, #tpu.memory_space<hbm>>) target(%dma_start3A_690 : memref<8xf32, #tpu.memory_space<vmem>>) target_semaphore(%arg20 : memref<!tpu.dma_semaphore, #tpu.memory_space<semaphore_mem>>)
      %dma_start3A_694 = arith.constant 0 : i32
      %dma_start3A_695 = tpu.memref_slice %arg17[%add3A_669, %dma_start3A_694] : memref<128x32xf32, #tpu.memory_space<vmem>> -> memref<1x32xf32, #tpu.memory_space<vmem>>
      %dma_start3A_696 = tpu.memref_squeeze %dma_start3A_695 : memref<1x32xf32, #tpu.memory_space<vmem>> -> memref<32xf32, #tpu.memory_space<vmem>>
      %dma_start3A_697 = arith.constant 0 : i32
      %dma_start3A_698 = tpu.memref_slice %arg5[%squeeze3A_665, %dma_start3A_697] : memref<1000000x32xf32, #tpu.memory_space<hbm>> -> memref<1x32xf32, #tpu.memory_space<hbm>>
      %dma_start3A_699 = tpu.memref_squeeze %dma_start3A_698 : memref<1x32xf32, #tpu.memory_space<hbm>> -> memref<32xf32, #tpu.memory_space<hbm>>
      %dma_start3A_700 = arith.constant 0 : i32
      %dma_start3A_701 = tpu.memref_slice %arg17[%add3A_669, %dma_start3A_700] : memref<128x32xf32, #tpu.memory_space<vmem>> -> memref<1x32xf32, #tpu.memory_space<vmem>>
      %dma_start3A_702 = tpu.memref_squeeze %dma_start3A_701 : memref<1x32xf32, #tpu.memory_space<vmem>> -> memref<32xf32, #tpu.memory_space<vmem>>
      %dma_start3A_703 = arith.constant 0 : i32
      %dma_start3A_704 = tpu.memref_slice %arg5[%squeeze3A_665, %dma_start3A_703] : memref<1000000x32xf32, #tpu.memory_space<hbm>> -> memref<1x32xf32, #tpu.memory_space<hbm>>
      %dma_start3A_705 = tpu.memref_squeeze %dma_start3A_704 : memref<1x32xf32, #tpu.memory_space<hbm>> -> memref<32xf32, #tpu.memory_space<hbm>>
      tpu.enqueue_dma source(%dma_start3A_705 : memref<32xf32, #tpu.memory_space<hbm>>) target(%dma_start3A_702 : memref<32xf32, #tpu.memory_space<vmem>>) target_semaphore(%arg22 : memref<!tpu.dma_semaphore, #tpu.memory_space<semaphore_mem>>)
    }
    %scan3A_9 = arith.constant 8 : i32
    %dma_wait3A = arith.constant 0 : i32
    %dma_wait3A_10 = arith.constant 0 : i32
    %dma_wait3A_11 = tpu.memref_slice %arg2[%dma_wait3A, %dma_wait3A_10] : memref<1000000x32xf32, #tpu.memory_space<hbm>> -> memref<128x32xf32, #tpu.memory_space<hbm>>
    %dma_wait3A_12 = arith.constant 0 : i32
    %dma_wait3A_13 = arith.constant 0 : i32
    %dma_wait3A_14 = tpu.memref_slice %arg2[%dma_wait3A_12, %dma_wait3A_13] : memref<1000000x32xf32, #tpu.memory_space<hbm>> -> memref<128x32xf32, #tpu.memory_space<hbm>>
    tpu.wait_dma2 semaphore(%arg19 : memref<!tpu.dma_semaphore, #tpu.memory_space<semaphore_mem>>) src(%dma_wait3A_14 : memref<128x32xf32, #tpu.memory_space<hbm>>) dst(%arg14 : memref<128x32xf32, #tpu.memory_space<vmem>>)
    %dma_wait3A_15 = arith.constant 0 : i32
    %dma_wait3A_16 = arith.constant 0 : i32
    %dma_wait3A_17 = tpu.memref_slice %arg3[%dma_wait3A_15, %dma_wait3A_16] : memref<1000000x8xf32, #tpu.memory_space<hbm>> -> memref<128x8xf32, #tpu.memory_space<hbm>>
    %dma_wait3A_18 = arith.constant 0 : i32
    %dma_wait3A_19 = arith.constant 0 : i32
    %dma_wait3A_20 = tpu.memref_slice %arg3[%dma_wait3A_18, %dma_wait3A_19] : memref<1000000x8xf32, #tpu.memory_space<hbm>> -> memref<128x8xf32, #tpu.memory_space<hbm>>
    tpu.wait_dma2 semaphore(%arg20 : memref<!tpu.dma_semaphore, #tpu.memory_space<semaphore_mem>>) src(%dma_wait3A_20 : memref<128x8xf32, #tpu.memory_space<hbm>>) dst(%arg15 : memref<128x8xf32, #tpu.memory_space<vmem>>)
    %dma_wait3A_21 = arith.constant 0 : i32
    %dma_wait3A_22 = arith.constant 0 : i32
    %dma_wait3A_23 = tpu.memref_slice %arg5[%dma_wait3A_21, %dma_wait3A_22] : memref<1000000x32xf32, #tpu.memory_space<hbm>> -> memref<128x32xf32, #tpu.memory_space<hbm>>
    %dma_wait3A_24 = arith.constant 0 : i32
    %dma_wait3A_25 = arith.constant 0 : i32
    %dma_wait3A_26 = tpu.memref_slice %arg5[%dma_wait3A_24, %dma_wait3A_25] : memref<1000000x32xf32, #tpu.memory_space<hbm>> -> memref<128x32xf32, #tpu.memory_space<hbm>>
    tpu.wait_dma2 semaphore(%arg22 : memref<!tpu.dma_semaphore, #tpu.memory_space<semaphore_mem>>) src(%dma_wait3A_26 : memref<128x32xf32, #tpu.memory_space<hbm>>) dst(%arg17 : memref<128x32xf32, #tpu.memory_space<vmem>>)
    %dma_wait3A_27 = arith.constant 0 : i32
    %dma_wait3A_28 = tpu.memref_slice %arg4[%dma_wait3A_27] : memref<1000000xf32, #tpu.memory_space<hbm>> -> memref<1000000xf32, #tpu.memory_space<hbm>>
    tpu.wait_indirect_dma semaphore(%arg21 : memref<!tpu.dma_semaphore, #tpu.memory_space<semaphore_mem>>) src(%dma_wait3A_28 : memref<1000000xf32, #tpu.memory_space<hbm>>) dst(%arg16 : memref<128xf32, #tpu.memory_space<vmem>>)
    %dma_wait3A_29 = arith.constant 0 : i32
    %dma_wait3A_30 = tpu.memref_slice %arg6[%dma_wait3A_29] : memref<1000000xf32, #tpu.memory_space<hbm>> -> memref<1000000xf32, #tpu.memory_space<hbm>>
    tpu.wait_indirect_dma semaphore(%arg23 : memref<!tpu.dma_semaphore, #tpu.memory_space<semaphore_mem>>) src(%dma_wait3A_30 : memref<1000000xf32, #tpu.memory_space<hbm>>) dst(%arg18 : memref<128xf32, #tpu.memory_space<vmem>>)
    "tpu.region"() ({
      %run_scoped3A = tpu.sem_alloc : memref<!tpu.dma_semaphore, #tpu.memory_space<semaphore_mem>>
      %dma_start3A_31 = arith.constant 0 : i32
      %dma_start3A_32 = tpu.memref_slice %arg8[%mul3A_2, %dma_start3A_31] : memref<4096x32xf32, #tpu.memory_space<hbm>> -> memref<128x32xf32, #tpu.memory_space<hbm>>
      %dma_start3A_33 = arith.constant 0 : i32
      %dma_start3A_34 = tpu.memref_slice %arg8[%mul3A_2, %dma_start3A_33] : memref<4096x32xf32, #tpu.memory_space<hbm>> -> memref<128x32xf32, #tpu.memory_space<hbm>>
      tpu.enqueue_dma source(%arg14 : memref<128x32xf32, #tpu.memory_space<vmem>>) target(%dma_start3A_34 : memref<128x32xf32, #tpu.memory_space<hbm>>) target_semaphore(%run_scoped3A : memref<!tpu.dma_semaphore, #tpu.memory_space<semaphore_mem>>)
      %dma_wait3A_35 = arith.constant 0 : i32
      %dma_wait3A_36 = tpu.memref_slice %arg8[%mul3A_2, %dma_wait3A_35] : memref<4096x32xf32, #tpu.memory_space<hbm>> -> memref<128x32xf32, #tpu.memory_space<hbm>>
      %dma_wait3A_37 = arith.constant 0 : i32
      %dma_wait3A_38 = tpu.memref_slice %arg8[%mul3A_2, %dma_wait3A_37] : memref<4096x32xf32, #tpu.memory_space<hbm>> -> memref<128x32xf32, #tpu.memory_space<hbm>>
      tpu.wait_dma2 semaphore(%run_scoped3A : memref<!tpu.dma_semaphore, #tpu.memory_space<semaphore_mem>>) src(%arg14 : memref<128x32xf32, #tpu.memory_space<vmem>>) dst(%dma_wait3A_38 : memref<128x32xf32, #tpu.memory_space<hbm>>)
      tpu.yield
    }) : () -> ()
    "tpu.region"() ({
      %run_scoped3A = tpu.sem_alloc : memref<!tpu.dma_semaphore, #tpu.memory_space<semaphore_mem>>
      %dma_start3A_31 = arith.constant 0 : i32
      %dma_start3A_32 = tpu.memref_slice %arg9[%mul3A_2, %dma_start3A_31] : memref<4096x8xf32, #tpu.memory_space<hbm>> -> memref<128x8xf32, #tpu.memory_space<hbm>>
      %dma_start3A_33 = arith.constant 0 : i32
      %dma_start3A_34 = tpu.memref_slice %arg9[%mul3A_2, %dma_start3A_33] : memref<4096x8xf32, #tpu.memory_space<hbm>> -> memref<128x8xf32, #tpu.memory_space<hbm>>
      tpu.enqueue_dma source(%arg15 : memref<128x8xf32, #tpu.memory_space<vmem>>) target(%dma_start3A_34 : memref<128x8xf32, #tpu.memory_space<hbm>>) target_semaphore(%run_scoped3A : memref<!tpu.dma_semaphore, #tpu.memory_space<semaphore_mem>>)
      %dma_wait3A_35 = arith.constant 0 : i32
      %dma_wait3A_36 = tpu.memref_slice %arg9[%mul3A_2, %dma_wait3A_35] : memref<4096x8xf32, #tpu.memory_space<hbm>> -> memref<128x8xf32, #tpu.memory_space<hbm>>
      %dma_wait3A_37 = arith.constant 0 : i32
      %dma_wait3A_38 = tpu.memref_slice %arg9[%mul3A_2, %dma_wait3A_37] : memref<4096x8xf32, #tpu.memory_space<hbm>> -> memref<128x8xf32, #tpu.memory_space<hbm>>
      tpu.wait_dma2 semaphore(%run_scoped3A : memref<!tpu.dma_semaphore, #tpu.memory_space<semaphore_mem>>) src(%arg15 : memref<128x8xf32, #tpu.memory_space<vmem>>) dst(%dma_wait3A_38 : memref<128x8xf32, #tpu.memory_space<hbm>>)
      tpu.yield
    }) : () -> ()
    "tpu.region"() ({
      %run_scoped3A = tpu.sem_alloc : memref<!tpu.dma_semaphore, #tpu.memory_space<semaphore_mem>>
      %dma_start3A_31 = tpu.memref_slice %arg10[%mul3A_2] : memref<4096xf32, #tpu.memory_space<hbm>> -> memref<128xf32, #tpu.memory_space<hbm>>
      %dma_start3A_32 = tpu.memref_slice %arg10[%mul3A_2] : memref<4096xf32, #tpu.memory_space<hbm>> -> memref<128xf32, #tpu.memory_space<hbm>>
      tpu.enqueue_dma source(%arg16 : memref<128xf32, #tpu.memory_space<vmem>>) target(%dma_start3A_32 : memref<128xf32, #tpu.memory_space<hbm>>) target_semaphore(%run_scoped3A : memref<!tpu.dma_semaphore, #tpu.memory_space<semaphore_mem>>)
      %dma_wait3A_33 = tpu.memref_slice %arg10[%mul3A_2] : memref<4096xf32, #tpu.memory_space<hbm>> -> memref<128xf32, #tpu.memory_space<hbm>>
      %dma_wait3A_34 = tpu.memref_slice %arg10[%mul3A_2] : memref<4096xf32, #tpu.memory_space<hbm>> -> memref<128xf32, #tpu.memory_space<hbm>>
      tpu.wait_dma2 semaphore(%run_scoped3A : memref<!tpu.dma_semaphore, #tpu.memory_space<semaphore_mem>>) src(%arg16 : memref<128xf32, #tpu.memory_space<vmem>>) dst(%dma_wait3A_34 : memref<128xf32, #tpu.memory_space<hbm>>)
      tpu.yield
    }) : () -> ()
    "tpu.region"() ({
      %run_scoped3A = tpu.sem_alloc : memref<!tpu.dma_semaphore, #tpu.memory_space<semaphore_mem>>
      %dma_start3A_31 = arith.constant 0 : i32
      %dma_start3A_32 = tpu.memref_slice %arg11[%mul3A_2, %dma_start3A_31] : memref<4096x32xf32, #tpu.memory_space<hbm>> -> memref<128x32xf32, #tpu.memory_space<hbm>>
      %dma_start3A_33 = arith.constant 0 : i32
      %dma_start3A_34 = tpu.memref_slice %arg11[%mul3A_2, %dma_start3A_33] : memref<4096x32xf32, #tpu.memory_space<hbm>> -> memref<128x32xf32, #tpu.memory_space<hbm>>
      tpu.enqueue_dma source(%arg17 : memref<128x32xf32, #tpu.memory_space<vmem>>) target(%dma_start3A_34 : memref<128x32xf32, #tpu.memory_space<hbm>>) target_semaphore(%run_scoped3A : memref<!tpu.dma_semaphore, #tpu.memory_space<semaphore_mem>>)
      %dma_wait3A_35 = arith.constant 0 : i32
      %dma_wait3A_36 = tpu.memref_slice %arg11[%mul3A_2, %dma_wait3A_35] : memref<4096x32xf32, #tpu.memory_space<hbm>> -> memref<128x32xf32, #tpu.memory_space<hbm>>
      %dma_wait3A_37 = arith.constant 0 : i32
      %dma_wait3A_38 = tpu.memref_slice %arg11[%mul3A_2, %dma_wait3A_37] : memref<4096x32xf32, #tpu.memory_space<hbm>> -> memref<128x32xf32, #tpu.memory_space<hbm>>
      tpu.wait_dma2 semaphore(%run_scoped3A : memref<!tpu.dma_semaphore, #tpu.memory_space<semaphore_mem>>) src(%arg17 : memref<128x32xf32, #tpu.memory_space<vmem>>) dst(%dma_wait3A_38 : memref<128x32xf32, #tpu.memory_space<hbm>>)
      tpu.yield
    }) : () -> ()
    "tpu.region"() ({
      %run_scoped3A = tpu.sem_alloc : memref<!tpu.dma_semaphore, #tpu.memory_space<semaphore_mem>>
      %dma_start3A_31 = tpu.memref_slice %arg12[%mul3A_2] : memref<4096xf32, #tpu.memory_space<hbm>> -> memref<128xf32, #tpu.memory_space<hbm>>
      %dma_start3A_32 = tpu.memref_slice %arg12[%mul3A_2] : memref<4096xf32, #tpu.memory_space<hbm>> -> memref<128xf32, #tpu.memory_space<hbm>>
      tpu.enqueue_dma source(%arg18 : memref<128xf32, #tpu.memory_space<vmem>>) target(%dma_start3A_32 : memref<128xf32, #tpu.memory_space<hbm>>) target_semaphore(%run_scoped3A : memref<!tpu.dma_semaphore, #tpu.memory_space<semaphore_mem>>)
      %dma_wait3A_33 = tpu.memref_slice %arg12[%mul3A_2] : memref<4096xf32, #tpu.memory_space<hbm>> -> memref<128xf32, #tpu.memory_space<hbm>>
      %dma_wait3A_34 = tpu.memref_slice %arg12[%mul3A_2] : memref<4096xf32, #tpu.memory_space<hbm>> -> memref<128xf32, #tpu.memory_space<hbm>>
      tpu.wait_dma2 semaphore(%run_scoped3A : memref<!tpu.dma_semaphore, #tpu.memory_space<semaphore_mem>>) src(%arg18 : memref<128xf32, #tpu.memory_space<vmem>>) dst(%dma_wait3A_34 : memref<128xf32, #tpu.memory_space<hbm>>)
      tpu.yield
    }) : () -> ()
    return
  }
}

</mosaic_0001>

<sc_bundles>
// kernel: _sample.3.cloned.1.call-start
scs
__scs_entry_jumppad:
0x0: {  	(pc) =	sbr.rel $0x88, $3  }
0x1: {  	(tag) =	ssettag $0x0;
	lr =	simm.s32 $0x1  }
0x2: {  	[smem:$0x3F9B] =	sst lr;
	_ =	strace $0xD0000000  }
0x3: {  	_ = 	snop  }
0x4: {  	_ = 	snop  }
0x5: {  	_ = 	snop  }
0x6: {  	_ = 	snop  }
0x7: {  	_ = 	snop  }
__scs_overlays_trampoline_lowered:
0x8: {  	[smem:$0x3FAA] =	sst s0  }
0x9: {  	[smem:$0x3FAB] =	sst s1  }
0xa: {  	[smem:$0x3FAC] =	sst s2  }
0xb: {  	[smem:$0x3FAD] =	sst s3  }
0xc: {  	[smem:$0x3FAE] =	sst s4  }
0xd: {  	[smem:$0x3FAF] =	sst s5  }
0xe: {  	[smem:$0x3FB0] =	sst s6  }
0xf: {  	[smem:$0x3FB1] =	sst s7  }
0x10: {  	[smem:$0x3FB2] =	sst s8  }
0x11: {  	[smem:$0x3FB3] =	sst s9;
	s0 =	simm.s32 @!p0 $0x0  }
0x12: {  	s1 =	sld [smem:$0x3F99];
	s0 =	simm.s32 @p0 $0x1  }
0x13: {  	[smem:$0x3FB4] =	sst s0;
	s0 =	simm.s32 @!p1 $0x0  }
0x14: {  	s2 =	sld [smem:$0x3F98];
	s0 =	simm.s32 @p1 $0x1  }
0x15: {  	[smem:$0x3FB5] =	sst s0;
	s0 =	simm.s32 @!p2 $0x0  }
0x16: {  	s3 =	sld [smem:$0x3FDB];
	s0 =	simm.s32 @p2 $0x1  }
0x17: {  	s4 =	simm.s32 $0x1BF5;
	[smem:$0x3FB7] =	sst s0  }
0x18: {  	s0 =	sld [smem:$0x3F9A];
	_ =	swait.ge [sflag:s4], $0x0  }
0x19: {  	s7 =	sld [smem:$0x3F9B]  }
0x1a: {  	s8 =	sadd.s32 $0xFFFFE003, lr  }
0x1b: {  	s9 =	sadd.s32 $0xFFFFFEF7, lr;
	s5 =	simm.s32 $0xFFFFFFFF;
	p2 =	slt.u32 s8, $0xFFFFF086  }
0x1c: {  	p1 =	slt.u32 s9, $0xF7A;
	s5 =	simm.s32 @!p2 $0x0  }
0x1d: {  	s5 =	simm.s32 @p1 $0x1;
	p0 =	seq.s32 s7, s2  }
0x1e: {  	s7 =	smul.u32 @!p0 $0xF7A, s2;
	p2 =	seq.s32 @!p0 s5, $0x0  }
0x1f: {  	s9 =	smul.u32 $0xF7A, s1;
	s8 =	simm.s32 @!p0 $0x1BF5;
	p2 =	por !p2, p0  }
0x20: {  	[sflag:s8] =	ssyncset.s32 @!p0 $0xFFFFF086;
	s6 =	sadd.s32 @!p0 s3, s7;
	s7 =	simm.s32 @!p0 $0x108  }
0x21: {  	s3 =	sadd.s32 s3, s9;
	s6 =	sadd.s32 @!p0 $0x88, s6;
	s7 =	simm.s32 @p2 $0x1082  }
0x22: {  	[simem:s7], [sflag:s8] =	dma.local @!p0 [hbm:s6], $0xF7A  }
0x23: {  	s9 =	sor.u32 $0xD0000000, s2;
	s6 =	simm.s32 $0x108;
	_ =	swait.ge @!p0 [sflag:s8], $0x0  }
0x24: {  	s3 =	sadd.s32 $0x88, s3;
	s6 =	simm.s32 @!p1 $0x1082;
	[sflag:s4] =	ssyncset.s32 $0xFFFFF086  }
0x25: {  	[simem:s6], [sflag:s4] =	dma.local [hbm:s3], $0xF7A  }
0x26: {  	[smem:$0x3F9B] =	sst s1;
	(tag) =	ssettag s2;
	_ =	strace s9  }
0x27: {  	s1 =	sld [smem:$0x3FAB]  }
0x28: {  	s2 =	sld [smem:$0x3FAC]  }
0x29: {  	s4 =	sld [smem:$0x3FAE]  }
0x2a: {  	p0 =	seq.s32 s5, $0x0;
	s5 =	sld [smem:$0x3FAF]  }
0x2b: {  	s6 =	sld [smem:$0x3FB0]  }
0x2c: {  	s7 =	sld [smem:$0x3FB1]  }
0x2d: {  	s3 =	simm.s32 $0x108;
	s8 =	sld [smem:$0x3FB2]  }
0x2e: {  	s3 =	simm.s32 @!p0 $0x1082;
	s9 =	sld [smem:$0x3FB3]  }
0x2f: {  	lr =	sadd.s32 s0, s3;
	s0 =	sld [smem:$0x3FAA]  }
0x30: {  	s3 =	sld [smem:$0x3FAD]  }
0x31: {  	[smem:$0x3FB6] =	sst s10  }
0x32: {  	s10 =	sld [smem:$0x3FB4];
	_ =	sdelay $0x3  }
0x33: {  	p0 =	seq.s32 s10, $0x1;
	s10 =	sld [smem:$0x3FB6];
	_ =	sdelay $0x3  }
0x34: {  	[smem:$0x3FB6] =	sst s10  }
0x35: {  	s10 =	sld [smem:$0x3FB5];
	_ =	sdelay $0x3  }
0x36: {  	p1 =	seq.s32 s10, $0x1;
	s10 =	sld [smem:$0x3FB6];
	_ =	sdelay $0x3  }
0x37: {  	[smem:$0x3FB6] =	sst s10  }
0x38: {  	s10 =	sld [smem:$0x3FB7]  }
0x39: {  	_ = 	snop;
	(pc) =	sbr.ind lr, $3  }
0x3a: {  	_ = 	snop  }
0x3b: {  	_ = 	snop  }
0x3c: {  	p2 =	seq.s32 s10, $0x1;
	s10 =	sld [smem:$0x3FB6]  }
0x3d: {  	_ =	shalt  }
0x3e: {  	_ =	shalt  }
0x3f: {  	_ =	shalt  }
0x40: {  	_ =	shalt  }
0x41: {  	_ =	shalt  }
0x42: {  	_ =	shalt  }
0x43: {  	_ =	shalt  }
0x44: {  	_ =	shalt  }
0x45: {  	_ =	shalt  }
0x46: {  	_ =	shalt  }
0x47: {  	_ =	shalt  }
0x48: {  	_ =	shalt  }
0x49: {  	_ =	shalt  }
0x4a: {  	_ =	shalt  }
0x4b: {  	_ =	shalt  }
0x4c: {  	_ =	shalt  }
0x4d: {  	_ =	shalt  }
0x4e: {  	_ =	shalt  }
0x4f: {  	_ =	shalt  }
0x50: {  	_ =	shalt  }
0x51: {  	_ =	shalt  }
0x52: {  	_ =	shalt  }
0x53: {  	_ =	shalt  }
0x54: {  	_ =	shalt  }
0x55: {  	_ =	shalt  }
0x56: {  	_ =	shalt  }
0x57: {  	_ =	shalt  }
0x58: {  	_ =	shalt  }
0x59: {  	_ =	shalt  }
0x5a: {  	_ =	shalt  }
0x5b: {  	_ =	shalt  }
0x5c: {  	_ =	shalt  }
0x5d: {  	_ =	shalt  }
0x5e: {  	_ =	shalt  }
0x5f: {  	_ =	shalt  }
0x60: {  	_ =	shalt  }
0x61: {  	_ =	shalt  }
0x62: {  	_ =	shalt  }
0x63: {  	_ =	shalt  }
0x64: {  	_ =	shalt  }
0x65: {  	_ =	shalt  }
0x66: {  	_ =	shalt  }
0x67: {  	_ =	shalt  }
0x68: {  	_ =	shalt  }
0x69: {  	_ =	shalt  }
0x6a: {  	_ =	shalt  }
0x6b: {  	_ =	shalt  }
0x6c: {  	_ =	shalt  }
0x6d: {  	_ =	shalt  }
0x6e: {  	_ =	shalt  }
0x6f: {  	_ =	shalt  }
0x70: {  	_ =	shalt  }
0x71: {  	_ =	shalt  }
0x72: {  	_ =	shalt  }
0x73: {  	_ =	shalt  }
0x74: {  	_ =	shalt  }
0x75: {  	_ =	shalt  }
0x76: {  	_ =	shalt  }
0x77: {  	_ =	shalt  }
0x78: {  	_ =	shalt  }
0x79: {  	_ =	shalt  }
0x7a: {  	_ =	shalt  }
0x7b: {  	_ =	shalt  }
0x7c: {  	_ =	shalt  }
0x7d: {  	_ =	shalt  }
0x7e: {  	_ =	shalt  }
0x7f: {  	_ =	shalt  }
0x80: {  	_ =	shalt  }
0x81: {  	_ =	shalt  }
0x82: {  	_ =	shalt  }
0x83: {  	_ =	shalt  }
0x84: {  	_ =	shalt  }
0x85: {  	_ =	shalt  }
0x86: {  	_ =	shalt  }
0x87: {  	_ =	shalt  }
.Lfunc_end0:
.L_simem_size_0:
called_computation_lowered:
.L_overlay_start_0:
0x88: {  	s2 =	sld [smem:$0x3FD9]  }
0x89: {  	s3 =	sld [smem:$0x3FFE];
	_ =	sdelay $0x1  }
0x8a: {  	s1 =	srdreg.scid  }
0x8b: {  	s0 =	sand.u32 $0x1, s1  }
0x8c: {  	s14 =	sshll.u32 s0, $0xA;
	s2 =	sadd.s32 s3, s2  }
0x8d: {  	s2 =	sadd.s32 s2, s14  }
0x8e: {  	[smem:$0x3FC2] =	sst s2  }
0x8f: {  	_ = 	snop  }
0x90: {  	s2 =	sld [smem:$0x3FD0]  }
0x91: {  	s15 =	sld [smem:$0x3FC7]  }
0x92: {  	s4 =	sld [smem:$0x3FC5]  }
0x93: {  	s6 =	simm.s32 $0xA;
	s7 =	simm.s32 $0x10;
	s5 =	sld [smem:$0x3FC4]  }
0x94: {  	[smem:s7], [sflag:s6] =	dma.local [hbm:s2], $0x1  }
0x95: {  	_ =	swait.eq [sflag:s6], $0x1  }
0x96: {  	[sflag:s6] =	ssyncset.done $0x0  }
0x97: {  	s16 =	sld [smem:$0x12];
	[sflag:s6] =	ssyncadd.s32 $0xFFFFFFFF  }
0x98: {  	s17 =	sld [smem:$0x14];
	(tm) =	ssettm $0x1  }
0x99: {  	s18 =	sld [smem:$0x3FFB];
	_ =	sdelay $0x3  }
0x9a: {  	_ =	strace s18  }
0x9b: {  	s7 =	sld [smem:$0x3FFC];
	_ =	sdelay $0x3  }
0x9c: {  	_ =	strace s7  }
0x9d: {  	s7 =	sld [smem:$0x3FFD];
	_ =	sdelay $0x3  }
0x9e: {  	_ =	strace s7  }
0x9f: {  	_ =	strace $0x8FFFFFFF  }
0xa0: {  	s19 =	sld [smem:$0x3FDB];
	_ =	sdelay $0x1  }
0xa1: {  	s8 =	simm.s32 $_scs_section_size  }
0xa2: {  	s9 =	simm.s32 $_size__tile_overlayer_lowered;
	s10 =	simm.s32 $_tile_overlayer_lowered  }
0xa3: {  	s22 =	simm.s32 $0x1BFF;
	s21 =	sshll.u32 s10, $0x1;
	s7 =	sadd.s32 s8, s19  }
0xa4: {  	s11 =	simm.s32 $0x0;
	s20 =	sshll.u32 s9, $0x1;
	s9 =	sadd.s32 s21, s7  }
0xa5: {  	[timem:s11], [sflag:s22] =	dma.local [hbm:s9], s20  }
0xa6: {  	_ =	swait.ge [sflag:s22], s20  }
0xa7: {  	s8 =	ssub.s32 $0x0, s20;
	[sflag:s22] =	ssyncset.done $0x0  }
0xa8: {  	[sflag:s22] =	ssyncadd.s32 s8;
	_ =	sdelay $0x1  }
0xa9: {  	s23 =	simm.s32 $0x1B8B  }
0xaa: {  	_ =	swait.ge [sflag:s23], $0x1  }
0xab: {  	[sflag:s23] =	ssyncset.done $0x0  }
0xac: {  	s25 =	simm.s32 $0x1B8E;
	s24 =	sld [smem:$0x3FFE];
	[sflag:s23] =	ssyncadd.s32 $0xFFFFFFFF  }
0xad: {  	s26 =	simm.s32 $execute0_lowered;
	[smem:$0x3FD2] =	sst s25  }
0xae: {  	s9 =	sshll.u32 s26, $0x1;
	_ =	strace $0x80000046;
	[dreg:$0x1] =	wrdreg $0xFFFFFFFF  }
0xaf: {  	s28 =	simm.s32 $_size_execute0_lowered;
	s7 =	sadd.s32 s7, s9;
	[dreg:$0x0] =	wrdreg $0x0  }
0xb0: {  	s9 =	sshll.u32 s28, $0x1;
	[dreg:$0x2] =	wrdreg s7  }
0xb1: {  	[dreg:$0x3] =	wrdreg s9  }
0xb2: {  	[dreg:$0x4] =	wrdreg $0xC0  }
0xb3: {  	_ =	task [dreg:s11], $0x5FFFF  }
0xb4: {  	[dreg:$0x1] =	wrdreg $0xFFFFFFFF  }
0xb5: {  	[dreg:$0x0] =	wrdreg $0x60  }
0xb6: {  	[dreg:$0x2] =	wrdreg s24  }
0xb7: {  	[dreg:$0x3] =	wrdreg s15  }
0xb8: {  	[dreg:$0x4] =	wrdreg s4  }
0xb9: {  	[dreg:$0x5] =	wrdreg s5  }
0xba: {  	[dreg:$0x6] =	wrdreg s16  }
0xbb: {  	[dreg:$0x7] =	wrdreg s17  }
0xbc: {  	[dreg:$0x8] =	wrdreg $0x9  }
0xbd: {  	_ =	task.clear_ibuf [dreg:s11], $0x9FFFF;
	_ =	strace $0x90000046  }
0xbe: {  	s29 =	simm.s32 $0x9;
	_ =	strace $0x80000048  }
0xbf: {  	_ =	swait.ge [sflag:s29], $0x1  }
0xc0: {  	[sflag:s29] =	ssyncadd.s32 $0xFFFFFFFF  }
0xc1: {  	_ =	strace $0x90000048  }
0xc2: {  	_ =	sfence  }
0xc3: {  	s30 =	sld [smem:$0x0];
	_ =	sdelay $0x2  }
0xc4: {  	s31 =	sshll.u32 s1, $0xD;
	s1 =	sshrl.u32 s1, $0x2  }
0xc5: {  	s3 =	sand.u32 $0x4000, s31;
	s1 =	sadd.s32 s1, s30  }
0xc6: {  	s0 =	sor.u32 s3, s0;
	s1 =	sshll.u32 s1, $0x11  }
0xc7: {  	s0 =	sor.u32 s1, s0  }
0xc8: {  	s0 =	sadd.s32 $0x8F2B, s0  }
0xc9: {  	[sflag:s0] =	ssyncadd.remote.s32 $0x1  }
0xca: {  	_ =	sfence.sel $0xFFFF  }
0xcb: {  	[dreg:$0x0] =	wrdreg $0xFFFFFFFF;
	(pc) =	sbr.abs _section_cstart, $3  }
0xcc: {  	[dreg:$0x1] =	wrdreg $0xFFFFFFFF  }
0xcd: {  	_ =	task.clear_ibuf [dreg:s11], $0x2FFFF;
	_ =	strace $0x9FFFFFFF  }
0xce: {  	(tm) =	ssettm $0x7FFFFFFF  }
0xcf: {  	_ =	shalt  }
tec
execute0_lowered:
.L_overlay_start_1:
0x0: {  	(tag) =	ssettag $0x1  }
0x1: {  	s0 =	rddreg [dreg:$0x0]  }
0x2: {  	s1 =	rddreg [dreg:$0x3]  }
0x3: {  	s2 =	rddreg [dreg:$0x4]  }
0x4: {  	s4 =	rddreg [dreg:$0x5];
	s3 =	simm.s32 $0x0  }
0x5: {  	s6 =	srdreg.scid;
	s7 =	stileid.u32;
	s15 =	simm.s32 $0x6  }
0x6: {  	s16 =	simm.s32 $0x80;
	s19 =	simm.s32 $0x1;
	s20 =	simm.s32 $0x2  }
0x7: {  	s21 =	simm.s32 $0x4;
	s22 =	simm.s32 $0x3;
	s23 =	simm.s32 $0x5  }
0x8: {  	s26 =	simm.s32 $0x0;
	[smem:$0x7FF] =	sst s3;
	s5 =	sadd.s32 $0xA00, s0  }
0x9: {  	s8 =	sand.u32 $0x1, s6;
	s6 =	sadd.s32 $0xF42E00, s0;
	s9 =	sshll.u32 s7, $0x8  }
0xa: {  	s7 =	sadd.s32 $0x1E85200, s0;
	s10 =	sshll.u32 s8, $0x7;
	s8 =	ssub.s32 $0x2, s8  }
0xb: {  	_ =	strace $0x80000047;
	s9 =	sor.u32 s10, s9;
	s11 =	sshrl.u32 s8, $0x1  }
0xc: {  	s10 =	sshll.u32 s9, $0x4;
	s13 =	sshrl.u32 s9, $0x3;
	s14 =	ssub.s32 s8, s11  }
0xd: {  	s0 =	sadd.s32 s10, s0;
	s1 =	sadd.s32 s1, s13;
	s11 =	sadd.s32 s2, s13  }
0xe: {  	s13 =	sadd.s32 s4, s13;
	s14 =	smax.u32 s14, $0x1;
	s2 =	simm.s32 $0xC100  }
0xf: {  	[dreg:$0x7] =	wrdreg s1;
	s31 =	sadd.s32 $0x2DC7600, s0;
	s10 =	sadd.s32 $0x2DD7600, s0  }
0x10: {  	s12 =	sadd.s32 $0x2DE7600, s0;
	s1 =	simm.s32 $0x8080;
	[dreg:$0x8] =	wrdreg s31  }
.LBB2_1:
0x11: {  	s0 =	rddreg [dreg:$0x7]  }
0x12: {  	[tilespmem:s3], [sflag:$0x6] =	stream.linear.gather [hbm4b:s0+s3], $0x80, $0x38;
	[tilespmem:$0xC180] =	vst v63  }
0x13: {  	_ =	swait.ge [sflag:s15], $0x80  }
0x14: {  	[sflag:s15] =	ssyncset.done $0x0  }
0x15: {  	[sflag:s15] =	ssyncadd.s32 $0xFFFFFF80  }
0x16: {  	s17 =	rddreg [dreg:$0x1]  }
0x17: {  	[tilespmem:s1], [sflag:$0x3] =	stream.indirect.gather [hbm4b:s17+s16], $0x1, s3, s16, $0xb8;
	[tilespmem:$0xC180] =	vst v63  }
0x18: {  	s18 =	rddreg [dreg:$0x2]  }
0x19: {  	[tilespmem:s2], [sflag:$0x5] =	stream.indirect.gather [hbm4b:s18+s16], $0x1, s3, s16, $0xb8;
	[tilespmem:$0xC180] =	vst v63  }
0x1a: {  	v0 =	vld [tilespmem:s3+$0x0];
	_ =	sdelay $0x4  }
0x1b: {  	v0 =	vshll.u32 v0, $0x4  }
0x1c: {  	(v2sf) =	vpush v0, $0x0;
	_ =	sdelay $0x3  }
0x1d: {  	(v2sf) =	vpush v0, $0x1;
	_ =	sdelay $0x5  }
0x1e: {  	(v2sf) =	vpush v0, $0x2;
	_ =	sdelay $0x4  }
0x1f: {  	s24 =	spop (v2sf)  }
0x20: {  	(v2sf) =	vpush v0, $0x3;
	s0 =	sand.u32 $0x1FFFFFF0, s24  }
0x21: {  	s30 =	simm.s32 $0x80;
	s25 =	sadd.s32 s5, s0  }
0x22: {  	[tilespmem:s30], [sflag:$0x1] =	stream.linear.gather [hbm4b:s25+s3], $0x80, $0x38;
	[tilespmem:$0xC180] =	vst v63  }
0x23: {  	s8 =	simm.s32 $0x4080;
	s31 =	spop (v2sf);
	s4 =	sadd.s32 s6, s0  }
0x24: {  	[tilespmem:s8], [sflag:$0x2] =	stream.linear.gather [hbm4b:s4+s3], $0x80, $0x38;
	[tilespmem:$0xC180] =	vst v63  }
0x25: {  	s9 =	simm.s32 $0x8100;
	s1 =	sand.u32 $0x1FFFFFF0, s31;
	s0 =	sadd.s32 s7, s0  }
0x26: {  	(v2sf) =	vpush v0, $0x4;
	[tilespmem:s9], [sflag:$0x4] =	stream.linear.gather [hbm4b:s0+s3], $0x80, $0x38;
	[tilespmem:$0xC180] =	vst v63  }
0x27: {  	s17 =	simm.s32 $0x100;
	s18 =	sadd.s32 s5, s1  }
0x28: {  	[tilespmem:s17], [sflag:$0x1] =	stream.linear.gather [hbm4b:s18+s3], $0x80, $0x38;
	[tilespmem:$0xC180] =	vst v63  }
0x29: {  	s24 =	spop (v2sf);
	s25 =	simm.s32 $0x4100;
	s30 =	sadd.s32 s6, s1  }
0x2a: {  	[tilespmem:s25], [sflag:$0x2] =	stream.linear.gather [hbm4b:s30+s3], $0x80, $0x38;
	[tilespmem:$0xC180] =	vst v63  }
0x2b: {  	s31 =	simm.s32 $0x8180;
	s1 =	sadd.s32 s7, s1;
	s0 =	sand.u32 $0x1FFFFFF0, s24  }
0x2c: {  	(v2sf) =	vpush v0, $0x5;
	[tilespmem:s31], [sflag:$0x4] =	stream.linear.gather [hbm4b:s1+s3], $0x80, $0x38;
	[tilespmem:$0xC180] =	vst v63  }
0x2d: {  	s4 =	simm.s32 $0x180;
	s8 =	sadd.s32 s5, s0  }
0x2e: {  	[tilespmem:s4], [sflag:$0x1] =	stream.linear.gather [hbm4b:s8+s3], $0x80, $0x38;
	[tilespmem:$0xC180] =	vst v63  }
0x2f: {  	s17 =	simm.s32 $0x4180;
	s18 =	sadd.s32 s6, s0;
	s9 =	spop (v2sf)  }
0x30: {  	[tilespmem:s17], [sflag:$0x2] =	stream.linear.gather [hbm4b:s18+s3], $0x80, $0x38;
	[tilespmem:$0xC180] =	vst v63  }
0x31: {  	s24 =	simm.s32 $0x8200;
	s0 =	sadd.s32 s7, s0;
	s1 =	sand.u32 $0x1FFFFFF0, s9  }
0x32: {  	(v2sf) =	vpush v0, $0x6;
	[tilespmem:s24], [sflag:$0x4] =	stream.linear.gather [hbm4b:s0+s3], $0x80, $0x38;
	[tilespmem:$0xC180] =	vst v63  }
0x33: {  	s25 =	simm.s32 $0x200;
	s30 =	sadd.s32 s5, s1  }
0x34: {  	[tilespmem:s25], [sflag:$0x1] =	stream.linear.gather [hbm4b:s30+s3], $0x80, $0x38;
	[tilespmem:$0xC180] =	vst v63  }
0x35: {  	s4 =	simm.s32 $0x4200;
	s31 =	spop (v2sf);
	s8 =	sadd.s32 s6, s1  }
0x36: {  	[tilespmem:s4], [sflag:$0x2] =	stream.linear.gather [hbm4b:s8+s3], $0x80, $0x38;
	[tilespmem:$0xC180] =	vst v63  }
0x37: {  	s9 =	simm.s32 $0x8280;
	s1 =	sadd.s32 s7, s1;
	s0 =	sand.u32 $0x1FFFFFF0, s31  }
0x38: {  	(v2sf) =	vpush v0, $0x7;
	[tilespmem:s9], [sflag:$0x4] =	stream.linear.gather [hbm4b:s1+s3], $0x80, $0x38;
	[tilespmem:$0xC180] =	vst v63  }
0x39: {  	s17 =	simm.s32 $0x280;
	s18 =	sadd.s32 s5, s0  }
0x3a: {  	[tilespmem:s17], [sflag:$0x1] =	stream.linear.gather [hbm4b:s18+s3], $0x80, $0x38;
	[tilespmem:$0xC180] =	vst v63  }
0x3b: {  	s24 =	spop (v2sf);
	s25 =	simm.s32 $0x4280;
	s30 =	sadd.s32 s6, s0  }
0x3c: {  	[tilespmem:s25], [sflag:$0x2] =	stream.linear.gather [hbm4b:s30+s3], $0x80, $0x38;
	[tilespmem:$0xC180] =	vst v63  }
0x3d: {  	s31 =	simm.s32 $0x8300;
	s0 =	sadd.s32 s7, s0;
	s1 =	sand.u32 $0x1FFFFFF0, s24  }
0x3e: {  	(v2sf) =	vpush v0, $0x8;
	[tilespmem:s31], [sflag:$0x4] =	stream.linear.gather [hbm4b:s0+s3], $0x80, $0x38;
	[tilespmem:$0xC180] =	vst v63  }
0x3f: {  	s4 =	simm.s32 $0x300;
	s8 =	sadd.s32 s5, s1  }
0x40: {  	[tilespmem:s4], [sflag:$0x1] =	stream.linear.gather [hbm4b:s8+s3], $0x80, $0x38;
	[tilespmem:$0xC180] =	vst v63  }
0x41: {  	s17 =	simm.s32 $0x4300;
	s18 =	sadd.s32 s6, s1;
	s9 =	spop (v2sf)  }
0x42: {  	[tilespmem:s17], [sflag:$0x2] =	stream.linear.gather [hbm4b:s18+s3], $0x80, $0x38;
	[tilespmem:$0xC180] =	vst v63  }
0x43: {  	s24 =	simm.s32 $0x8380;
	s1 =	sadd.s32 s7, s1;
	s0 =	sand.u32 $0x1FFFFFF0, s9  }
0x44: {  	(v2sf) =	vpush v0, $0x9;
	[tilespmem:s24], [sflag:$0x4] =	stream.linear.gather [hbm4b:s1+s3], $0x80, $0x38;
	[tilespmem:$0xC180] =	vst v63  }
0x45: {  	s25 =	simm.s32 $0x380;
	s30 =	sadd.s32 s5, s0  }
0x46: {  	[tilespmem:s25], [sflag:$0x1] =	stream.linear.gather [hbm4b:s30+s3], $0x80, $0x38;
	[tilespmem:$0xC180] =	vst v63  }
0x47: {  	s31 =	spop (v2sf);
	s4 =	simm.s32 $0x4380;
	s8 =	sadd.s32 s6, s0  }
0x48: {  	[tilespmem:s4], [sflag:$0x2] =	stream.linear.gather [hbm4b:s8+s3], $0x80, $0x38;
	[tilespmem:$0xC180] =	vst v63  }
0x49: {  	s9 =	simm.s32 $0x8400;
	s0 =	sadd.s32 s7, s0;
	s1 =	sand.u32 $0x1FFFFFF0, s31  }
0x4a: {  	(v2sf) =	vpush v0, $0xA;
	[tilespmem:s9], [sflag:$0x4] =	stream.linear.gather [hbm4b:s0+s3], $0x80, $0x38;
	[tilespmem:$0xC180] =	vst v63  }
0x4b: {  	s17 =	simm.s32 $0x400;
	s18 =	sadd.s32 s5, s1  }
0x4c: {  	[tilespmem:s17], [sflag:$0x1] =	stream.linear.gather [hbm4b:s18+s3], $0x80, $0x38;
	[tilespmem:$0xC180] =	vst v63  }
0x4d: {  	s24 =	spop (v2sf);
	s25 =	simm.s32 $0x4400;
	s30 =	sadd.s32 s6, s1  }
0x4e: {  	[tilespmem:s25], [sflag:$0x2] =	stream.linear.gather [hbm4b:s30+s3], $0x80, $0x38;
	[tilespmem:$0xC180] =	vst v63  }
0x4f: {  	s31 =	simm.s32 $0x8480;
	s1 =	sadd.s32 s7, s1;
	s0 =	sand.u32 $0x1FFFFFF0, s24  }
0x50: {  	(v2sf) =	vpush v0, $0xB;
	[tilespmem:s31], [sflag:$0x4] =	stream.linear.gather [hbm4b:s1+s3], $0x80, $0x38;
	[tilespmem:$0xC180] =	vst v63  }
0x51: {  	s4 =	simm.s32 $0x480;
	s8 =	sadd.s32 s5, s0  }
0x52: {  	[tilespmem:s4], [sflag:$0x1] =	stream.linear.gather [hbm4b:s8+s3], $0x80, $0x38;
	[tilespmem:$0xC180] =	vst v63  }
0x53: {  	s9 =	spop (v2sf);
	s17 =	simm.s32 $0x4480;
	s18 =	sadd.s32 s6, s0  }
0x54: {  	[tilespmem:s17], [sflag:$0x2] =	stream.linear.gather [hbm4b:s18+s3], $0x80, $0x38;
	[tilespmem:$0xC180] =	vst v63  }
0x55: {  	s24 =	simm.s32 $0x8500;
	s0 =	sadd.s32 s7, s0;
	s1 =	sand.u32 $0x1FFFFFF0, s9  }
0x56: {  	(v2sf) =	vpush v0, $0xC;
	[tilespmem:s24], [sflag:$0x4] =	stream.linear.gather [hbm4b:s0+s3], $0x80, $0x38;
	[tilespmem:$0xC180] =	vst v63  }
0x57: {  	s25 =	simm.s32 $0x500;
	s30 =	sadd.s32 s5, s1  }
0x58: {  	[tilespmem:s25], [sflag:$0x1] =	stream.linear.gather [hbm4b:s30+s3], $0x80, $0x38;
	[tilespmem:$0xC180] =	vst v63  }
0x59: {  	s31 =	spop (v2sf);
	s4 =	simm.s32 $0x4500;
	s8 =	sadd.s32 s6, s1  }
0x5a: {  	[tilespmem:s4], [sflag:$0x2] =	stream.linear.gather [hbm4b:s8+s3], $0x80, $0x38;
	[tilespmem:$0xC180] =	vst v63  }
0x5b: {  	s9 =	simm.s32 $0x8580;
	s1 =	sadd.s32 s7, s1;
	s0 =	sand.u32 $0x1FFFFFF0, s31  }
0x5c: {  	(v2sf) =	vpush v0, $0xD;
	[tilespmem:s9], [sflag:$0x4] =	stream.linear.gather [hbm4b:s1+s3], $0x80, $0x38;
	[tilespmem:$0xC180] =	vst v63  }
0x5d: {  	s17 =	simm.s32 $0x580;
	s18 =	sadd.s32 s5, s0  }
0x5e: {  	[tilespmem:s17], [sflag:$0x1] =	stream.linear.gather [hbm4b:s18+s3], $0x80, $0x38;
	[tilespmem:$0xC180] =	vst v63  }
0x5f: {  	s24 =	spop (v2sf);
	s25 =	simm.s32 $0x4580;
	s30 =	sadd.s32 s6, s0  }
0x60: {  	[tilespmem:s25], [sflag:$0x2] =	stream.linear.gather [hbm4b:s30+s3], $0x80, $0x38;
	[tilespmem:$0xC180] =	vst v63  }
0x61: {  	s31 =	simm.s32 $0x8600;
	s0 =	sadd.s32 s7, s0;
	s1 =	sand.u32 $0x1FFFFFF0, s24  }
0x62: {  	(v2sf) =	vpush v0, $0xE;
	[tilespmem:s31], [sflag:$0x4] =	stream.linear.gather [hbm4b:s0+s3], $0x80, $0x38;
	[tilespmem:$0xC180] =	vst v63  }
0x63: {  	s4 =	simm.s32 $0x600;
	s8 =	sadd.s32 s5, s1  }
0x64: {  	[tilespmem:s4], [sflag:$0x1] =	stream.linear.gather [hbm4b:s8+s3], $0x80, $0x38;
	[tilespmem:$0xC180] =	vst v63  }
0x65: {  	s9 =	spop (v2sf);
	s17 =	simm.s32 $0x4600;
	s18 =	sadd.s32 s6, s1  }
0x66: {  	[tilespmem:s17], [sflag:$0x2] =	stream.linear.gather [hbm4b:s18+s3], $0x80, $0x38;
	[tilespmem:$0xC180] =	vst v63  }
0x67: {  	s24 =	simm.s32 $0x8680;
	s1 =	sadd.s32 s7, s1;
	s0 =	sand.u32 $0x1FFFFFF0, s9  }
0x68: {  	(v2sf) =	vpush v0, $0xF;
	[tilespmem:s24], [sflag:$0x4] =	stream.linear.gather [hbm4b:s1+s3], $0x80, $0x38;
	[tilespmem:$0xC180] =	vst v63  }
0x69: {  	s25 =	simm.s32 $0x680;
	s30 =	sadd.s32 s5, s0  }
0x6a: {  	[tilespmem:s25], [sflag:$0x1] =	stream.linear.gather [hbm4b:s30+s3], $0x80, $0x38;
	[tilespmem:$0xC180] =	vst v63  }
0x6b: {  	s31 =	spop (v2sf);
	s4 =	simm.s32 $0x4680;
	s8 =	sadd.s32 s6, s0  }
0x6c: {  	[tilespmem:s4], [sflag:$0x2] =	stream.linear.gather [hbm4b:s8+s3], $0x80, $0x38;
	[tilespmem:$0xC180] =	vst v63  }
0x6d: {  	s9 =	simm.s32 $0x8700;
	s0 =	sadd.s32 s7, s0;
	s1 =	sand.u32 $0x1FFFFFF0, s31  }
0x6e: {  	[tilespmem:s9], [sflag:$0x4] =	stream.linear.gather [hbm4b:s0+s3], $0x80, $0x38;
	[tilespmem:$0xC180] =	vst v63  }
0x6f: {  	s28 =	simm.s32 $0x2000;
	s17 =	simm.s32 $0x700;
	s18 =	sadd.s32 s5, s1  }
0x70: {  	[tilespmem:s17], [sflag:$0x1] =	stream.linear.gather [hbm4b:s18+s3], $0x80, $0x38;
	[tilespmem:$0xC180] =	vst v63  }
0x71: {  	s24 =	spop (v2sf);
	s25 =	simm.s32 $0x4700;
	s30 =	sadd.s32 s6, s1  }
0x72: {  	[tilespmem:s25], [sflag:$0x2] =	stream.linear.gather [hbm4b:s30+s3], $0x80, $0x38;
	[tilespmem:$0xC180] =	vst v63  }
0x73: {  	s31 =	simm.s32 $0x8780;
	s1 =	sadd.s32 s7, s1;
	s0 =	sand.u32 $0x1FFFFFF0, s24  }
0x74: {  	[tilespmem:s31], [sflag:$0x4] =	stream.linear.gather [hbm4b:s1+s3], $0x80, $0x38;
	[tilespmem:$0xC180] =	vst v63  }
0x75: {  	s29 =	simm.s32 $0x0;
	s2 =	simm.s32 $0x780;
	s4 =	sadd.s32 s5, s0  }
0x76: {  	[tilespmem:s2], [sflag:$0x1] =	stream.linear.gather [hbm4b:s4+s3], $0x80, $0x38;
	[tilespmem:$0xC180] =	vst v63  }
0x77: {  	s8 =	spop (v2sf);
	s9 =	simm.s32 $0x4780;
	s17 =	sadd.s32 s6, s0  }
0x78: {  	[tilespmem:s9], [sflag:$0x2] =	stream.linear.gather [hbm4b:s17+s3], $0x80, $0x38;
	[tilespmem:$0xC180] =	vst v63  }
0x79: {  	s18 =	simm.s32 $0x8800;
	s0 =	sadd.s32 s7, s0;
	s1 =	sand.u32 $0x1FFFFFF0, s8  }
0x7a: {  	[tilespmem:s18], [sflag:$0x4] =	stream.linear.gather [hbm4b:s0+s3], $0x80, $0x38;
	[tilespmem:$0xC180] =	vst v63  }
0x7b: {  	s24 =	simm.s32 $0x800;
	s30 =	simm.s32 $0x4800;
	s25 =	sadd.s32 s5, s1  }
0x7c: {  	[tilespmem:s24], [sflag:$0x1] =	stream.linear.gather [hbm4b:s25+s3], $0x80, $0x38;
	[tilespmem:$0xC180] =	vst v63  }
0x7d: {  	s31 =	sadd.s32 s6, s1;
	s1 =	sadd.s32 s7, s1;
	s0 =	simm.s32 $0x8880  }
0x7e: {  	[tilespmem:s30], [sflag:$0x2] =	stream.linear.gather [hbm4b:s31+s3], $0x80, $0x38;
	[tilespmem:$0xC180] =	vst v63  }
.LBB2_2:
0x7f: {  	p0 =	sne.s32 s28, $0xE000  }
0x80: {  	s29 =	sadd.s32 $0x10, s29;
	s2 =	smov.u32 s28;
	s28 =	sadd.s32 $0x2000, s28  }
0x81: {  	[tilespmem:s0], [sflag:$0x4] =	stream.linear.gather [hbm4b:s1+s3], $0x80, $0x38;
	[tilespmem:$0xC180] =	vst v63  }
0x82: {  	v0 =	vld [tilespmem:s29+$0x0];
	_ =	sdelay $0x4  }
0x83: {  	v0 =	vshll.u32 v0, $0x4  }
0x84: {  	(v2sf) =	vpush v0, $0x0  }
0x85: {  	(v2sf) =	vpush v0, $0x1  }
0x86: {  	(v2sf) =	vpush v0, $0x2;
	_ =	sdelay $0x2  }
0x87: {  	(v2sf) =	vpush v0, $0x3;
	_ =	sdelay $0x3  }
0x88: {  	(v2sf) =	vpush v0, $0x4;
	_ =	sdelay $0x3  }
0x89: {  	(v2sf) =	vpush v0, $0x5;
	_ =	sdelay $0x1  }
0x8a: {  	s0 =	spop (v2sf)  }
0x8b: {  	s30 =	sshra.s32 s2, $0x2;
	s0 =	sand.u32 $0x1FFFFFF0, s0;
	s1 =	spop (v2sf)  }
0x8c: {  	s4 =	sadd.s32 $0x4080, s30;
	s2 =	sadd.s32 s5, s0;
	s24 =	spop (v2sf);
	(v2sf) =	vpush v0, $0x6  }
0x8d: {  	s25 =	sadd.s32 $0x80, s30;
	s1 =	sand.u32 $0x1FFFFFF0, s1;
	s24 =	sand.u32 $0x1FFFFFF0, s24  }
0x8e: {  	[tilespmem:s25], [sflag:$0x1] =	stream.linear.gather [hbm4b:s2+s3], $0x80, $0x38;
	[tilespmem:$0xC180] =	vst v63  }
0x8f: {  	s2 =	sadd.s32 s6, s0;
	s25 =	sadd.s32 $0x8100, s30;
	s31 =	spop (v2sf)  }
0x90: {  	[tilespmem:s4], [sflag:$0x2] =	stream.linear.gather [hbm4b:s2+s3], $0x80, $0x38;
	(v2sf) =	vpush v0, $0x7;
	[tilespmem:$0xC180] =	vst v63  }
0x91: {  	s0 =	sadd.s32 s7, s0;
	s2 =	sadd.s32 $0x100, s30;
	s4 =	sand.u32 $0x1FFFFFF0, s31  }
0x92: {  	[tilespmem:s25], [sflag:$0x4] =	stream.linear.gather [hbm4b:s0+s3], $0x80, $0x38;
	[tilespmem:$0xC180] =	vst v63  }
0x93: {  	s0 =	sadd.s32 s5, s1;
	s25 =	sadd.s32 $0x4100, s30;
	s31 =	spop (v2sf)  }
0x94: {  	[tilespmem:s2], [sflag:$0x1] =	stream.linear.gather [hbm4b:s0+s3], $0x80, $0x38;
	[tilespmem:$0xC180] =	vst v63  }
0x95: {  	s0 =	sadd.s32 s6, s1;
	s2 =	sadd.s32 $0x8180, s30;
	s31 =	sand.u32 $0x1FFFFFF0, s31  }
0x96: {  	[tilespmem:s25], [sflag:$0x2] =	stream.linear.gather [hbm4b:s0+s3], $0x80, $0x38;
	(v2sf) =	vpush v0, $0x8;
	[tilespmem:$0xC180] =	vst v63  }
0x97: {  	s0 =	sadd.s32 s7, s1;
	s1 =	sadd.s32 $0x180, s30;
	s25 =	spop (v2sf)  }
0x98: {  	[tilespmem:s2], [sflag:$0x4] =	stream.linear.gather [hbm4b:s0+s3], $0x80, $0x38;
	[tilespmem:$0xC180] =	vst v63  }
0x99: {  	s17 =	sadd.s32 $0x4180, s30;
	s0 =	sadd.s32 s5, s24;
	s2 =	sand.u32 $0x1FFFFFF0, s25  }
0x9a: {  	[tilespmem:s1], [sflag:$0x1] =	stream.linear.gather [hbm4b:s0+s3], $0x80, $0x38;
	(v2sf) =	vpush v0, $0x9;
	[tilespmem:$0xC180] =	vst v63  }
0x9b: {  	s25 =	sadd.s32 $0x8200, s30;
	s0 =	sadd.s32 s6, s24;
	s1 =	spop (v2sf)  }
0x9c: {  	[tilespmem:s17], [sflag:$0x2] =	stream.linear.gather [hbm4b:s0+s3], $0x80, $0x38;
	[tilespmem:$0xC180] =	vst v63  }
0x9d: {  	s0 =	sadd.s32 s7, s24;
	s17 =	sadd.s32 $0x200, s30;
	s1 =	sand.u32 $0x1FFFFFF0, s1  }
0x9e: {  	[tilespmem:s25], [sflag:$0x4] =	stream.linear.gather [hbm4b:s0+s3], $0x80, $0x38;
	(v2sf) =	vpush v0, $0xA;
	[tilespmem:$0xC180] =	vst v63  }
0x9f: {  	s24 =	sadd.s32 $0x4200, s30;
	s0 =	sadd.s32 s5, s4;
	s25 =	spop (v2sf)  }
0xa0: {  	[tilespmem:s17], [sflag:$0x1] =	stream.linear.gather [hbm4b:s0+s3], $0x80, $0x38;
	[tilespmem:$0xC180] =	vst v63  }
0xa1: {  	s8 =	sadd.s32 $0x8280, s30;
	s17 =	sadd.s32 s6, s4;
	s0 =	sand.u32 $0x1FFFFFF0, s25  }
0xa2: {  	[tilespmem:s24], [sflag:$0x2] =	stream.linear.gather [hbm4b:s17+s3], $0x80, $0x38;
	(v2sf) =	vpush v0, $0xB;
	[tilespmem:$0xC180] =	vst v63  }
0xa3: {  	s4 =	sadd.s32 s7, s4;
	s17 =	sadd.s32 $0x280, s30;
	s24 =	sadd.s32 s5, s31  }
0xa4: {  	[tilespmem:s8], [sflag:$0x4] =	stream.linear.gather [hbm4b:s4+s3], $0x80, $0x38;
	[tilespmem:$0xC180] =	vst v63  }
0xa5: {  	s4 =	sadd.s32 $0x4280, s30;
	s8 =	sadd.s32 s6, s31;
	s25 =	spop (v2sf)  }
0xa6: {  	[tilespmem:s17], [sflag:$0x1] =	stream.linear.gather [hbm4b:s24+s3], $0x80, $0x38;
	(v2sf) =	vpush v0, $0xC;
	[tilespmem:$0xC180] =	vst v63  }
0xa7: {  	s17 =	sadd.s32 $0x8300, s30;
	s24 =	sadd.s32 s7, s31;
	s31 =	sand.u32 $0x1FFFFFF0, s25  }
0xa8: {  	[tilespmem:s4], [sflag:$0x2] =	stream.linear.gather [hbm4b:s8+s3], $0x80, $0x38;
	[tilespmem:$0xC180] =	vst v63  }
0xa9: {  	s4 =	sadd.s32 $0x300, s30;
	s8 =	sadd.s32 s5, s2;
	s25 =	spop (v2sf)  }
0xaa: {  	[tilespmem:s17], [sflag:$0x4] =	stream.linear.gather [hbm4b:s24+s3], $0x80, $0x38;
	(v2sf) =	vpush v0, $0xD;
	[tilespmem:$0xC180] =	vst v63  }
0xab: {  	s17 =	sadd.s32 $0x4300, s30;
	s24 =	sadd.s32 s6, s2;
	s25 =	sand.u32 $0x1FFFFFF0, s25  }
0xac: {  	[tilespmem:s4], [sflag:$0x1] =	stream.linear.gather [hbm4b:s8+s3], $0x80, $0x38;
	[tilespmem:$0xC180] =	vst v63  }
0xad: {  	s2 =	sadd.s32 s7, s2;
	s4 =	sadd.s32 $0x8380, s30;
	s8 =	spop (v2sf)  }
0xae: {  	[tilespmem:s17], [sflag:$0x2] =	stream.linear.gather [hbm4b:s24+s3], $0x80, $0x38;
	(v2sf) =	vpush v0, $0xE;
	[tilespmem:$0xC180] =	vst v63  }
0xaf: {  	s18 =	sadd.s32 s5, s1;
	s17 =	sadd.s32 $0x380, s30;
	s24 =	sand.u32 $0x1FFFFFF0, s8  }
0xb0: {  	[tilespmem:s4], [sflag:$0x4] =	stream.linear.gather [hbm4b:s2+s3], $0x80, $0x38;
	[tilespmem:$0xC180] =	vst v63  }
0xb1: {  	s8 =	sadd.s32 s6, s1;
	s4 =	sadd.s32 $0x4380, s30;
	s2 =	spop (v2sf)  }
0xb2: {  	[tilespmem:s17], [sflag:$0x1] =	stream.linear.gather [hbm4b:s18+s3], $0x80, $0x38;
	(v2sf) =	vpush v0, $0xF;
	[tilespmem:$0xC180] =	vst v63  }
0xb3: {  	s1 =	sadd.s32 s7, s1;
	s17 =	sadd.s32 $0x8400, s30;
	s2 =	sand.u32 $0x1FFFFFF0, s2  }
0xb4: {  	[tilespmem:s4], [sflag:$0x2] =	stream.linear.gather [hbm4b:s8+s3], $0x80, $0x38;
	[tilespmem:$0xC180] =	vst v63  }
0xb5: {  	s4 =	sadd.s32 $0x400, s30;
	s8 =	sadd.s32 s5, s0;
	s18 =	spop (v2sf)  }
0xb6: {  	[tilespmem:s17], [sflag:$0x4] =	stream.linear.gather [hbm4b:s1+s3], $0x80, $0x38;
	[tilespmem:$0xC180] =	vst v63  }
0xb7: {  	s9 =	sadd.s32 s6, s0;
	s17 =	sadd.s32 $0x4400, s30;
	s1 =	sand.u32 $0x1FFFFFF0, s18  }
0xb8: {  	[tilespmem:s4], [sflag:$0x1] =	stream.linear.gather [hbm4b:s8+s3], $0x80, $0x38;
	[tilespmem:$0xC180] =	vst v63  }
0xb9: {  	s0 =	sadd.s32 s7, s0;
	s8 =	sadd.s32 $0x8480, s30;
	s4 =	spop (v2sf)  }
0xba: {  	[tilespmem:s17], [sflag:$0x2] =	stream.linear.gather [hbm4b:s9+s3], $0x80, $0x38;
	[tilespmem:$0xC180] =	vst v63  }
0xbb: {  	s9 =	sadd.s32 $0x480, s30;
	s17 =	sadd.s32 s5, s31;
	s4 =	sand.u32 $0x1FFFFFF0, s4  }
0xbc: {  	[tilespmem:s8], [sflag:$0x4] =	stream.linear.gather [hbm4b:s0+s3], $0x80, $0x38;
	[tilespmem:$0xC180] =	vst v63  }
0xbd: {  	s18 =	sadd.s32 s6, s31;
	s8 =	sadd.s32 $0x4480, s30;
	s0 =	spop (v2sf)  }
0xbe: {  	[tilespmem:s9], [sflag:$0x1] =	stream.linear.gather [hbm4b:s17+s3], $0x80, $0x38;
	[tilespmem:$0xC180] =	vst v63  }
0xbf: {  	s9 =	sadd.s32 $0x8500, s30;
	s17 =	sadd.s32 s7, s31;
	s0 =	sand.u32 $0x1FFFFFF0, s0  }
0xc0: {  	[tilespmem:s8], [sflag:$0x2] =	stream.linear.gather [hbm4b:s18+s3], $0x80, $0x38;
	[tilespmem:$0xC180] =	vst v63  }
0xc1: {  	s8 =	sadd.s32 $0x500, s30;
	s18 =	sadd.s32 s5, s25;
	s31 =	spop (v2sf)  }
0xc2: {  	[tilespmem:s9], [sflag:$0x4] =	stream.linear.gather [hbm4b:s17+s3], $0x80, $0x38;
	[tilespmem:$0xC180] =	vst v63  }
0xc3: {  	s9 =	sadd.s32 $0x4500, s30;
	s17 =	sadd.s32 s6, s25;
	s31 =	sand.u32 $0x1FFFFFF0, s31  }
0xc4: {  	[tilespmem:s8], [sflag:$0x1] =	stream.linear.gather [hbm4b:s18+s3], $0x80, $0x38;
	[tilespmem:$0xC180] =	vst v63  }
0xc5: {  	s8 =	sadd.s32 $0x8580, s30;
	s18 =	sadd.s32 s7, s25  }
0xc6: {  	[tilespmem:s9], [sflag:$0x2] =	stream.linear.gather [hbm4b:s17+s3], $0x80, $0x38;
	[tilespmem:$0xC180] =	vst v63  }
0xc7: {  	s9 =	sadd.s32 $0x580, s30;
	s17 =	sadd.s32 s5, s24  }
0xc8: {  	[tilespmem:s8], [sflag:$0x4] =	stream.linear.gather [hbm4b:s18+s3], $0x80, $0x38;
	[tilespmem:$0xC180] =	vst v63  }
0xc9: {  	s8 =	sadd.s32 $0x4580, s30;
	s18 =	sadd.s32 s6, s24  }
0xca: {  	[tilespmem:s9], [sflag:$0x1] =	stream.linear.gather [hbm4b:s17+s3], $0x80, $0x38;
	[tilespmem:$0xC180] =	vst v63  }
0xcb: {  	s9 =	sadd.s32 $0x8600, s30;
	s17 =	sadd.s32 s7, s24  }
0xcc: {  	[tilespmem:s8], [sflag:$0x2] =	stream.linear.gather [hbm4b:s18+s3], $0x80, $0x38;
	[tilespmem:$0xC180] =	vst v63  }
0xcd: {  	s8 =	sadd.s32 $0x600, s30;
	s18 =	sadd.s32 s5, s2  }
0xce: {  	[tilespmem:s9], [sflag:$0x4] =	stream.linear.gather [hbm4b:s17+s3], $0x80, $0x38;
	[tilespmem:$0xC180] =	vst v63  }
0xcf: {  	s9 =	sadd.s32 $0x4600, s30;
	s17 =	sadd.s32 s6, s2  }
0xd0: {  	[tilespmem:s8], [sflag:$0x1] =	stream.linear.gather [hbm4b:s18+s3], $0x80, $0x38;
	[tilespmem:$0xC180] =	vst v63  }
0xd1: {  	s2 =	sadd.s32 s7, s2;
	s8 =	sadd.s32 $0x8680, s30  }
0xd2: {  	[tilespmem:s9], [sflag:$0x2] =	stream.linear.gather [hbm4b:s17+s3], $0x80, $0x38;
	[tilespmem:$0xC180] =	vst v63  }
0xd3: {  	s9 =	sadd.s32 $0x680, s30;
	s17 =	sadd.s32 s5, s1  }
0xd4: {  	[tilespmem:s8], [sflag:$0x4] =	stream.linear.gather [hbm4b:s2+s3], $0x80, $0x38;
	[tilespmem:$0xC180] =	vst v63  }
0xd5: {  	s2 =	sadd.s32 $0x4680, s30;
	s8 =	sadd.s32 s6, s1  }
0xd6: {  	[tilespmem:s9], [sflag:$0x1] =	stream.linear.gather [hbm4b:s17+s3], $0x80, $0x38;
	[tilespmem:$0xC180] =	vst v63  }
0xd7: {  	s1 =	sadd.s32 s7, s1;
	s9 =	sadd.s32 $0x8700, s30  }
0xd8: {  	[tilespmem:s2], [sflag:$0x2] =	stream.linear.gather [hbm4b:s8+s3], $0x80, $0x38;
	[tilespmem:$0xC180] =	vst v63  }
0xd9: {  	s2 =	sadd.s32 $0x700, s30;
	s8 =	sadd.s32 s5, s4  }
0xda: {  	[tilespmem:s9], [sflag:$0x4] =	stream.linear.gather [hbm4b:s1+s3], $0x80, $0x38;
	[tilespmem:$0xC180] =	vst v63  }
0xdb: {  	s1 =	sadd.s32 $0x4700, s30;
	s9 =	sadd.s32 s6, s4  }
0xdc: {  	[tilespmem:s2], [sflag:$0x1] =	stream.linear.gather [hbm4b:s8+s3], $0x80, $0x38;
	[tilespmem:$0xC180] =	vst v63  }
0xdd: {  	s4 =	sadd.s32 s7, s4;
	s2 =	sadd.s32 $0x8780, s30  }
0xde: {  	[tilespmem:s1], [sflag:$0x2] =	stream.linear.gather [hbm4b:s9+s3], $0x80, $0x38;
	[tilespmem:$0xC180] =	vst v63  }
0xdf: {  	s8 =	sadd.s32 s5, s0;
	s1 =	sadd.s32 $0x780, s30  }
0xe0: {  	[tilespmem:s2], [sflag:$0x4] =	stream.linear.gather [hbm4b:s4+s3], $0x80, $0x38;
	[tilespmem:$0xC180] =	vst v63  }
0xe1: {  	s2 =	sadd.s32 $0x4780, s30;
	s4 =	sadd.s32 s6, s0  }
0xe2: {  	[tilespmem:s1], [sflag:$0x1] =	stream.linear.gather [hbm4b:s8+s3], $0x80, $0x38;
	[tilespmem:$0xC180] =	vst v63  }
0xe3: {  	s0 =	sadd.s32 s7, s0;
	s1 =	sadd.s32 $0x8800, s30  }
0xe4: {  	[tilespmem:s2], [sflag:$0x2] =	stream.linear.gather [hbm4b:s4+s3], $0x80, $0x38;
	[tilespmem:$0xC180] =	vst v63  }
0xe5: {  	s2 =	sadd.s32 $0x800, s30;
	s4 =	sadd.s32 s5, s31  }
0xe6: {  	[tilespmem:s1], [sflag:$0x4] =	stream.linear.gather [hbm4b:s0+s3], $0x80, $0x38;
	[tilespmem:$0xC180] =	vst v63  }
.Ltmp0:
0xe7: {  	_ = 	snop;
	(pc) =	sbr.rel @p0 .LBB2_2-.Ltmp0, $4  }
0xe8: {  	s9 =	sadd.s32 s6, s31;
	s8 =	sadd.s32 $0x4800, s30  }
0xe9: {  	[tilespmem:s2], [sflag:$0x1] =	stream.linear.gather [hbm4b:s4+s3], $0x80, $0x38;
	[tilespmem:$0xC180] =	vst v63  }
0xea: {  	s0 =	sadd.s32 $0x8880, s30;
	s1 =	sadd.s32 s7, s31  }
0xeb: {  	[tilespmem:s8], [sflag:$0x2] =	stream.linear.gather [hbm4b:s9+s3], $0x80, $0x38;
	[tilespmem:$0xC180] =	vst v63  }
0xec: {  	[tilespmem:s0], [sflag:$0x4] =	stream.linear.gather [hbm4b:s1+s3], $0x80, $0x38;
	[tilespmem:$0xC180] =	vst v63  }
0xed: {  	_ =	swait.ge [sflag:s19], $0x4000  }
0xee: {  	[sflag:s19] =	ssyncset.done $0x0  }
0xef: {  	[sflag:s19] =	ssyncadd.s32 $0xFFFFC000  }
0xf0: {  	_ =	swait.ge [sflag:s20], $0x4000  }
0xf1: {  	[sflag:s20] =	ssyncset.done $0x0  }
0xf2: {  	[sflag:s20] =	ssyncadd.s32 $0xFFFFC000  }
0xf3: {  	_ =	swait.ge [sflag:s21], $0x4000  }
0xf4: {  	[sflag:s21] =	ssyncset.done $0x0  }
0xf5: {  	[sflag:s21] =	ssyncadd.s32 $0xFFFFC000  }
0xf6: {  	_ =	swait.ge [sflag:s22], $0x80  }
0xf7: {  	[sflag:s22] =	ssyncset.done $0x0  }
0xf8: {  	[sflag:s22] =	ssyncadd.s32 $0xFFFFFF80  }
0xf9: {  	_ =	swait.ge [sflag:s23], $0x80  }
0xfa: {  	[sflag:s23] =	ssyncset.done $0x0  }
0xfb: {  	s29 =	rddreg [dreg:$0x8];
	[sflag:s23] =	ssyncadd.s32 $0xFFFFFF80  }
0xfc: {  	[hbm4b:s29+s3] =	stream.linear.scatter [tilespmem:s16], [sflag:$0x6], $0x4000, $0x38;
	[tilespmem:$0xC180] =	vst v63  }
0xfd: {  	_ =	swait.ge [sflag:s15], $0x4000  }
0xfe: {  	[sflag:s15] =	ssyncset.done $0x0  }
0xff: {  	s30 =	simm.s32 $0x4080;
	[sflag:s15] =	ssyncadd.s32 $0xFFFFC000  }
0x100: {  	[hbm4b:s10+s3] =	stream.linear.scatter [tilespmem:s30], [sflag:$0x6], $0x4000, $0x38;
	[tilespmem:$0xC180] =	vst v63  }
0x101: {  	_ =	swait.ge [sflag:s15], $0x4000  }
0x102: {  	[sflag:s15] =	ssyncset.done $0x0  }
0x103: {  	s1 =	simm.s32 $0x8080;
	[sflag:s15] =	ssyncadd.s32 $0xFFFFC000  }
0x104: {  	[hbm4b:s11+s3] =	stream.linear.scatter [tilespmem:s1], [sflag:$0x6], $0x80, $0x38;
	[tilespmem:$0xC180] =	vst v63  }
0x105: {  	_ =	swait.ge [sflag:s15], $0x80  }
0x106: {  	[sflag:s15] =	ssyncset.done $0x0  }
0x107: {  	s31 =	simm.s32 $0x8100;
	[sflag:s15] =	ssyncadd.s32 $0xFFFFFF80  }
0x108: {  	[hbm4b:s12+s3] =	stream.linear.scatter [tilespmem:s31], [sflag:$0x6], $0x4000, $0x38;
	[tilespmem:$0xC180] =	vst v63  }
0x109: {  	s26 =	sadd.s32 $0x1, s26;
	_ =	swait.ge [sflag:s15], $0x4000  }
0x10a: {  	p0 =	sne.s32 s26, s14;
	[sflag:s15] =	ssyncset.done $0x0  }
.Ltmp1:
0x10b: {  	s2 =	simm.s32 $0xC100;
	[sflag:s15] =	ssyncadd.s32 $0xFFFFC000;
	(pc) =	sbr.rel @p0 .LBB2_1-.Ltmp1, $4  }
0x10c: {  	[hbm4b:s13+s3] =	stream.linear.scatter [tilespmem:s2], [sflag:$0x6], $0x80, $0x38;
	[tilespmem:$0xC180] =	vst v63  }
0x10d: {  	_ =	swait.ge [sflag:s15], $0x80  }
0x10e: {  	[sflag:s15] =	ssyncset.done $0x0  }
0x10f: {  	[sflag:s15] =	ssyncadd.s32 $0xFFFFFF80  }
0x110: {  	_ =	sfence.sel $0x180000  }
0x111: {  	[bflag:$0x0] =	sbarrier.arrive $0xFFFF  }
0x112: {  	_ =	strace $0x90000047  }
0x113: {  	s0 =	stileid.u32;
	[bflag:$0x2] =	sbarrier.arrive $0xFFFF  }
0x114: {  	p0 =	sne.s32 s0, $0x0;
	s0 =	rddreg [dreg:$0x6]  }
0x115: {  	s0 =	sadd.s32 @!p0 $0x100000, s0  }
0x116: {  	[sflag:s0] =	ssyncadd.tile.s32 @!p0 $0x1;
	_ =	shalt  }
.Lfunc_end2:
_tile_overlayer_lowered:
.L_overlay_start_2:
0x117: {  	(tag) =	ssettag $0x2  }
0x118: {  	s0 =	rddreg [dreg:$0x0];
	s2 =	stileid.u32  }
0x119: {  	s1 =	rddreg [dreg:$0x1];
	p0 =	sne.s32 s2, $0x0  }
0x11a: {  	s3 =	rddreg [dreg:$0x2];
	[bflag:$0x3] =	sbarrier.arrive $0xFFFF;
	s2 =	simm.s32 @!p0 $0x1C06  }
0x11b: {  	[timem:s3], [sflag:s2] =	dma.local @!p0 [hbm:s0], s1  }
0x11c: {  	s0 =	simm.s32 @!p0 $0x6  }
0x11d: {  	_ =	swait.ge @!p0 [sflag:s0], s1  }
0x11e: {  	s1 =	ssub.s32 @!p0 $0x0, s1;
	[sflag:s0] =	ssyncset.done @!p0 $0x0  }
0x11f: {  	[sflag:s0] =	ssyncadd.s32 @!p0 s1  }
0x120: {  	[bflag:$0x3] =	sbarrier.arrive $0xFFFF  }
0x121: {  	_ =	shalt  }

</sc_bundles>
